<compile_context>
chip_gen: v7x
topology: tpu7x:2x2x1
jax: 0.10.2.dev20260603
libtpu: 0.0.44.dev20260713+nightly
codegen_flags: <defaults>
</compile_context>

<pallas_src>
import functools

import jax
import jax.numpy as jnp
from jax.experimental import pallas as pl
from jax.experimental.pallas import tpu as pltpu

ALPHA = 1.702
LIMIT = 7.0
NC = 2


def _fp4_bf16(c):
    sign = (c & 8) << 28
    m = c & 7
    e = m >> 1
    m0 = m & 1
    norm = ((126 + e) << 23) | (m0 << 22)
    sub = jnp.where(m0 == 1, jnp.full_like(c, 126 << 23), jnp.zeros_like(c))
    bits = sign | jnp.where(e == 0, sub, norm)
    return jax.lax.bitcast_convert_type(bits, jnp.float32).astype(jnp.bfloat16)


_DN = (((1,), (1,)), ((), ()))
_DS = (((1,), (0,)), ((), ()))


def _mmf(a, b):
    return jax.lax.dot_general(a, b, _DS, preferred_element_type=jnp.float32)


def _moe_body(TM, T, H, I,
              e_ref, base_ref, nrows_ref, tok_ref, wgt_ref,
              hid_ref, q_ref, s_ref, dq_ref, ds_ref, bgu_ref, bd_ref,
              r16_ref, r16b_ref, clo_ref, chi_ref,
              out_ref, xs_ref, ys_ref, wlo_ref, whi_ref, wdlo_ref, wdhi_ref):
    t = pl.program_id(0)
    c = pl.program_id(1)
    Hh = H // 2
    CI = 2 * I // NC
    CB = CI // 4
    SB = 128

    @pl.when((t == 0) & (c == 0))
    def _():
        out_ref[...] = jnp.zeros_like(out_ref)

    nrows = nrows_ref[t]
    base = base_ref[t]

    @pl.when((nrows > 0) & (c == 0))
    def _():
        def gather(i, _):
            xs_ref[pl.ds(i, 1), :] = hid_ref[pl.ds(tok_ref[base + i], 1), :]
            return 0
        jax.lax.fori_loop(0, nrows, gather, 0)

    @pl.when(nrows > 0)
    def _():
        def dq_gu(i, _):
            r = i * SB
            qi = q_ref[pl.ds(r, SB), :].astype(jnp.int32)
            sf = jnp.exp2(s_ref[pl.ds(r, SB), :].astype(jnp.float32) - 127.0)
            se = _mmf(sf.astype(jnp.bfloat16), r16_ref[...]).astype(jnp.bfloat16)
            wlo_ref[pl.ds(r, SB), :] = _fp4_bf16(qi & 15) * se
            whi_ref[pl.ds(r, SB), :] = _fp4_bf16(qi >> 4) * se
            return 0
        jax.lax.fori_loop(0, CI // SB, dq_gu, 0)

        def dq_d(i, _):
            r = i * SB
            di = dq_ref[pl.ds(r, SB), :].astype(jnp.int32)
            sf = jnp.exp2(ds_ref[pl.ds(r, SB), :].astype(jnp.float32) - 127.0)
            se = _mmf(sf.astype(jnp.bfloat16), r16b_ref[...]).astype(jnp.bfloat16)
            wdlo_ref[pl.ds(r, SB), :] = _fp4_bf16(di & 15) * se
            wdhi_ref[pl.ds(r, SB), :] = _fp4_bf16(di >> 4) * se
            return 0
        jax.lax.fori_loop(0, H // SB, dq_d, 0)

        x = xs_ref[...].astype(jnp.bfloat16)
        x_lo = x[:, :Hh]
        x_hi = x[:, Hh:]

        gu = jax.lax.dot_general(x_lo, wlo_ref[...], _DN, preferred_element_type=jnp.float32)
        gu += jax.lax.dot_general(x_hi, whi_ref[...], _DN, preferred_element_type=jnp.float32)
        gu += bgu_ref[...]

        gate = jnp.minimum(gu, LIMIT)
        up = jnp.clip(gu, -LIMIT, LIMIT)
        glu = gate * jax.nn.sigmoid(gate * ALPHA)
        up1 = jnp.roll(up, -1, axis=1)
        gated = ((up1 + 1.0) * glu).astype(jnp.bfloat16)

        g_lo = _mmf(gated, clo_ref[...]).astype(jnp.bfloat16)
        g_hi = _mmf(gated, chi_ref[...]).astype(jnp.bfloat16)

        part = jax.lax.dot_general(g_lo, wdlo_ref[...], _DN, preferred_element_type=jnp.float32)
        part += jax.lax.dot_general(g_hi, wdhi_ref[...], _DN, preferred_element_type=jnp.float32)

        @pl.when(c == 0)
        def _():
            ys_ref[...] = part

        @pl.when(c > 0)
        def _():
            ys_ref[...] += part

    @pl.when((nrows > 0) & (c == NC - 1))
    def _():
        ys_ref[...] += bd_ref[...]

        def scatter(i, _):
            tok = tok_ref[base + i]
            row = ys_ref[pl.ds(i, 1), :] * wgt_ref[base + i]
            out_ref[pl.ds(tok, 1), :] += row
            return 0
        jax.lax.fori_loop(0, nrows, scatter, 0)


def kernel(hidden_states, router_indices, routing_weights,
           gate_up_qweight, gate_up_scales, down_qweight, down_scales,
           gate_up_proj_bias, down_proj_bias):
    T, H = hidden_states.shape
    E = gate_up_qweight.shape[0]
    I = down_qweight.shape[2] * 2
    TOPK = router_indices.shape[1]
    P = T * TOPK
    TM = 128
    NT = P // TM + E
    Hh = H // 2
    I2 = 2 * I
    CI = I2 // NC
    CB = CI // 4

    flat = router_indices.reshape(-1).astype(jnp.int32)
    order = jnp.argsort(flat).astype(jnp.int32)
    tok = (order // TOPK).astype(jnp.int32)
    wgt = routing_weights.reshape(-1)[order]
    counts = jnp.zeros((E,), jnp.int32).at[flat].add(1)
    offsets = jnp.cumsum(counts) - counts
    ntiles = (counts + TM - 1) // TM
    tcum = jnp.cumsum(ntiles)
    first_tile = tcum - ntiles
    tr = jnp.arange(NT, dtype=jnp.int32)
    e_of_t = jnp.clip(jnp.searchsorted(tcum, tr, side="right"), 0, E - 1).astype(jnp.int32)
    local = tr - first_tile[e_of_t]
    base = jnp.clip(offsets[e_of_t] + local * TM, 0, P - 1).astype(jnp.int32)
    nrows = jnp.clip(counts[e_of_t] - local * TM, 0, TM).astype(jnp.int32)

    hidden_de = jnp.swapaxes(hidden_states.reshape(T, Hh, 2), 1, 2).reshape(T, H)
    ds_t = down_scales.reshape(E, H, NC, I // (32 * NC)).transpose(0, 2, 1, 3)
    bgu = gate_up_proj_bias.reshape(E, 1, I2)
    bd = down_proj_bias.reshape(E, 1, H)

    r16 = (jnp.arange(Hh)[None, :] // 16 == jnp.arange(Hh // 16)[:, None]).astype(jnp.bfloat16)
    r16b = (jnp.arange(CB)[None, :] // 16 == jnp.arange(CB // 16)[:, None]).astype(jnp.bfloat16)
    clo = (jnp.arange(CI)[:, None] == 4 * jnp.arange(CB)[None, :]).astype(jnp.bfloat16)
    chi = (jnp.arange(CI)[:, None] == 4 * jnp.arange(CB)[None, :] + 2).astype(jnp.bfloat16)

    fixed = lambda t, c, *_: (0, 0)
    grid_spec = pltpu.PrefetchScalarGridSpec(
        num_scalar_prefetch=5,
        grid=(NT, NC),
        in_specs=[
            pl.BlockSpec((T, H), fixed),
            pl.BlockSpec((None, CI, Hh), lambda t, c, e_r, *_: (e_r[t], c, 0)),
            pl.BlockSpec((None, CI, Hh // 16), lambda t, c, e_r, *_: (e_r[t], c, 0)),
            pl.BlockSpec((None, H, CB), lambda t, c, e_r, *_: (e_r[t], 0, c)),
            pl.BlockSpec((None, None, H, CB // 16), lambda t, c, e_r, *_: (e_r[t], c, 0, 0)),
            pl.BlockSpec((None, 1, CI), lambda t, c, e_r, *_: (e_r[t], 0, c)),
            pl.BlockSpec((None, 1, H), lambda t, c, e_r, *_: (e_r[t], 0, 0)),
            pl.BlockSpec((Hh // 16, Hh), fixed),
            pl.BlockSpec((CB // 16, CB), fixed),
            pl.BlockSpec((CI, CB), fixed),
            pl.BlockSpec((CI, CB), fixed),
        ],
        out_specs=pl.BlockSpec((T, H), fixed),
        scratch_shapes=[
            pltpu.VMEM((TM, H), jnp.float32),
            pltpu.VMEM((TM, H), jnp.float32),
            pltpu.VMEM((CI, Hh), jnp.bfloat16),
            pltpu.VMEM((CI, Hh), jnp.bfloat16),
            pltpu.VMEM((H, CB), jnp.bfloat16),
            pltpu.VMEM((H, CB), jnp.bfloat16),
        ],
    )

    body = functools.partial(_moe_body, TM, T, H, I)
    out = pl.pallas_call(
        body,
        grid_spec=grid_spec,
        out_shape=jax.ShapeDtypeStruct((T, H), jnp.float32),
        compiler_params=pltpu.CompilerParams(
            dimension_semantics=("arbitrary", "arbitrary"),
        ),
    )(e_of_t, base, nrows, tok, wgt,
      hidden_de, gate_up_qweight, gate_up_scales, down_qweight, ds_t,
      bgu, bd, r16, r16b, clo, chi)
    return out

# --- scband reference (transcript-rebuilt; emitter-appended) ---
"""Pipeline reference for scband-mxfp4-experts-28922309771730 (READ-ONLY COPY).

The authoritative reference and input builder live on the scoring server;
editing this copy changes nothing except your own understanding.
"""

import jax, jax.numpy as jnp
import numpy as np

ALPHA = 1.702
LIMIT = 7.0
_FP4_LUT = jnp.array([0.0, 0.5, 1.0, 1.5, 2.0, 3.0, 4.0, 6.0,
                      -0.0, -0.5, -1.0, -1.5, -2.0, -3.0, -4.0, -6.0], dtype=jnp.float32)


def unpack_mxfp4(qw, scales, block_size=32):
    # qw: uint8 [N, K//2] (two fp4 e2m1 codes per byte, low nibble first)
    # scales: uint8 [N, K//32] (e8m0 biased exponents)
    n = qw.shape[0]
    lo = (qw & 0x0F).astype(jnp.int32)
    hi = ((qw >> 4) & 0x0F).astype(jnp.int32)
    codes = jnp.stack([lo, hi], axis=-1).reshape(n, -1)
    vals = jnp.take(_FP4_LUT, codes)
    scale = jnp.exp2(scales.astype(jnp.float32) - 127.0)
    scale = jnp.repeat(scale, block_size, axis=-1)
    return vals * scale


def setup_inputs(seed: int = 0):
    key = jax.random.key(seed)
    T, H, I, E, TOPK = 2048, 1024, 2048, 64, 2
    ks = jax.random.split(key, 9)
    hidden_states = jax.random.normal(ks[0], (T, H), dtype=jnp.float32)
    router_indices = jax.random.randint(ks[1], (T, TOPK), 0, E)
    routing_weights = jax.random.uniform(ks[2], (T, TOPK), dtype=jnp.float32)
    gate_up_qweight = jax.random.randint(ks[3], (E, 2 * I, H // 2), 0, 256).astype(jnp.uint8)
    gate_up_scales = jax.random.randint(ks[4], (E, 2 * I, H // 32), 115, 124).astype(jnp.uint8)
    down_qweight = jax.random.randint(ks[5], (E, H, I // 2), 0, 256).astype(jnp.uint8)
    down_scales = jax.random.randint(ks[6], (E, H, I // 32), 115, 124).astype(jnp.uint8)
    gate_up_proj_bias = jax.random.normal(ks[7], (E, 2 * I), dtype=jnp.float32) * 0.01
    down_proj_bias = jax.random.normal(ks[8], (E, H), dtype=jnp.float32) * 0.01
    return {
        "hidden_states": hidden_states,
        "router_indices": router_indices,
        "routing_weights": routing_weights,
        "gate_up_qweight": gate_up_qweight,
        "gate_up_scales": gate_up_scales,
        "down_qweight": down_qweight,
        "down_scales": down_scales,
        "gate_up_proj_bias": gate_up_proj_bias,
        "down_proj_bias": down_proj_bias,
    }


def reference(hidden_states, router_indices, routing_weights,
              gate_up_qweight, gate_up_scales, down_qweight, down_scales,
              gate_up_proj_bias, down_proj_bias):
    T, H = hidden_states.shape
    E = gate_up_qweight.shape[0]
    I = down_qweight.shape[2] * 2
    TOPK = router_indices.shape[1]

    def body(e, next_states):
        w_gu = unpack_mxfp4(gate_up_qweight[e], gate_up_scales[e])[:, :H]
        gate_up = hidden_states @ w_gu.T + gate_up_proj_bias[e]
        gate = jnp.minimum(gate_up[..., ::2], LIMIT)
        up = jnp.clip(gate_up[..., 1::2], -LIMIT, LIMIT)
        glu = gate * jax.nn.sigmoid(gate * ALPHA)
        gated = (up + 1.0) * glu
        w_d = unpack_mxfp4(down_qweight[e], down_scales[e])[:, :I]
        out = gated @ w_d.T + down_proj_bias[e]
        for s in range(TOPK):
            m = (router_indices[:, s] == e).astype(hidden_states.dtype)
            next_states = next_states + out * (routing_weights[:, s] * m)[:, None]
        return next_states

    return jax.lax.fori_loop(0, E, body, jnp.zeros_like(hidden_states))

if __name__ == "__main__":
    import jax
    _d = setup_inputs()
    print(jax.jit(kernel)(*tuple(_d.values())))

</pallas_src>

<mosaic_0001>
module attributes {stable_mosaic.version = 14 : i64} {
  func.func @_moe_body(%arg0: i32, %arg1: i32, %arg2: memref<96xi32, #tpu.memory_space<smem>>, %arg3: memref<96xi32, #tpu.memory_space<smem>>, %arg4: memref<96xi32, #tpu.memory_space<smem>>, %arg5: memref<4096xi32, #tpu.memory_space<smem>>, %arg6: memref<4096xf32, #tpu.memory_space<smem>>, %arg7: memref<2048x1024xf32, #tpu.memory_space<vmem>>, %arg8: memref<1x2048x512xi8, #tpu.memory_space<vmem>>, %arg9: memref<1x2048x32xi8, #tpu.memory_space<vmem>>, %arg10: memref<1x1024x512xi8, #tpu.memory_space<vmem>>, %arg11: memref<1x1x1024x32xi8, #tpu.memory_space<vmem>>, %arg12: memref<1x1x2048xf32, #tpu.memory_space<vmem>>, %arg13: memref<1x1x1024xf32, #tpu.memory_space<vmem>>, %arg14: memref<32x512xbf16, #tpu.memory_space<vmem>>, %arg15: memref<32x512xbf16, #tpu.memory_space<vmem>>, %arg16: memref<2048x512xbf16, #tpu.memory_space<vmem>>, %arg17: memref<2048x512xbf16, #tpu.memory_space<vmem>>, %arg18: memref<2048x1024xf32, #tpu.memory_space<vmem>>, %arg19: memref<128x1024xf32, #tpu.memory_space<vmem>>, %arg20: memref<128x1024xf32, #tpu.memory_space<vmem>>, %arg21: memref<2048x512xbf16, #tpu.memory_space<vmem>>, %arg22: memref<2048x512xbf16, #tpu.memory_space<vmem>>, %arg23: memref<1024x512xbf16, #tpu.memory_space<vmem>>, %arg24: memref<1024x512xbf16, #tpu.memory_space<vmem>>) attributes {dimension_semantics = [#tpu.dimension_semantics<arbitrary>, #tpu.dimension_semantics<arbitrary>], iteration_bounds = array<i64: 96, 2>, scalar_prefetch = 5 : i64, scratch_operands = 6 : i64, tpu.core_type = #tpu.core_type<tc>, window_params = [{pipeline_mode = #tpu.pipeline_mode<synchronous>, transform_indices = @transform_0, window_bounds = array<i64: 2048, 1024>}, {transform_indices = @transform_1, window_bounds = array<i64: 1, 2048, 512>}, {transform_indices = @transform_2, window_bounds = array<i64: 1, 2048, 32>}, {transform_indices = @transform_3, window_bounds = array<i64: 1, 1024, 512>}, {transform_indices = @transform_4, window_bounds = array<i64: 1, 1, 1024, 32>}, {transform_indices = @transform_5, window_bounds = array<i64: 1, 1, 2048>}, {transform_indices = @transform_6, window_bounds = array<i64: 1, 1, 1024>}, {pipeline_mode = #tpu.pipeline_mode<synchronous>, transform_indices = @transform_7, window_bounds = array<i64: 32, 512>}, {pipeline_mode = #tpu.pipeline_mode<synchronous>, transform_indices = @transform_8, window_bounds = array<i64: 32, 512>}, {pipeline_mode = #tpu.pipeline_mode<synchronous>, transform_indices = @transform_9, window_bounds = array<i64: 2048, 512>}, {pipeline_mode = #tpu.pipeline_mode<synchronous>, transform_indices = @transform_10, window_bounds = array<i64: 2048, 512>}, {pipeline_mode = #tpu.pipeline_mode<synchronous>, transform_indices = @transform_11, window_bounds = array<i64: 2048, 1024>}]} {
    %eq3A = arith.constant 0 : i32
    %eq3A_0 = arith.cmpi eq, %arg0, %eq3A : i32
    %eq3A_1 = arith.constant 0 : i32
    %eq3A_2 = arith.cmpi eq, %arg1, %eq3A_1 : i32
    %and3A = arith.andi %eq3A_0, %eq3A_2 : i1
    %convert_element_type3A = arith.extui %and3A : i1 to i32
    %cond3A = arith.constant 0 : i32
    %cond3A_3 = arith.cmpi ne, %convert_element_type3A, %cond3A : i32
    scf.if %cond3A_3 {
      %broadcast_in_dim3A = arith.constant 0.000000e+00 : f32
      %broadcast_in_dim3A_27 = vector.broadcast %broadcast_in_dim3A : f32 to vector<2048x1024xf32>
      %swap3A = arith.constant 0 : index
      %swap3A_28 = arith.constant 0 : index
      %swap3A_29 = vector.load %arg18[%swap3A, %swap3A_28] : memref<2048x1024xf32, #tpu.memory_space<vmem>>, vector<2048x1024xf32>
      tpu.vector_store %arg18[%swap3A, %swap3A_28], %broadcast_in_dim3A_27 {strides = array<i32>} : memref<2048x1024xf32, #tpu.memory_space<vmem>>, vector<2048x1024xf32>,
    } else {
    }
    %get3A = arith.index_cast %arg0 : i32 to index
    %get3A_4 = memref.load %arg4[%get3A] : memref<96xi32, #tpu.memory_space<smem>>
    %get3A_5 = arith.index_cast %arg0 : i32 to index
    %get3A_6 = memref.load %arg3[%get3A_5] : memref<96xi32, #tpu.memory_space<smem>>
    %gt3A = arith.constant 0 : i32
    %gt3A_7 = arith.cmpi sgt, %get3A_4, %gt3A : i32
    %eq3A_8 = arith.constant 0 : i32
    %eq3A_9 = arith.cmpi eq, %arg1, %eq3A_8 : i32
    %and3A_10 = arith.andi %gt3A_7, %eq3A_9 : i1
    %convert_element_type3A_11 = arith.extui %and3A_10 : i1 to i32
    %cond3A_12 = arith.constant 0 : i32
    %cond3A_13 = arith.cmpi ne, %convert_element_type3A_11, %cond3A_12 : i32
    scf.if %cond3A_13 {
      %while3A = arith.constant 0 : i32
      %while3A_27 = arith.constant 0 : i32
      %while3A_28 = arith.subi %get3A_4, %while3A : i32
      %while3A_29 = arith.addi %while3A, %while3A_28 : i32
      %while3A_30 = arith.constant 1 : i32
      %while3A_31 = arith.divsi %while3A_28, %while3A_30 : i32
      %while3A_32 = arith.muli %while3A_31, %while3A_30 : i32
      %while3A_33 = arith.addi %while3A, %while3A_32 : i32
      %while3A_34 = arith.constant 1 : i32
      %while3A_35 = scf.for %while3A_38 = %while3A to %while3A_33 step %while3A_34 iter_args(%while3A_39 = %while3A_27) -> (i32)  : i32 {
        %add3A = arith.addi %get3A_6, %while3A_38 : i32
        %get3A_40 = arith.index_cast %add3A : i32 to index
        %get3A_41 = memref.load %arg5[%get3A_40] : memref<4096xi32, #tpu.memory_space<smem>>
        %get3A_42 = arith.index_cast %get3A_41 : i32 to index
        %get3A_43 = arith.constant 0 : index
        %get3A_44 = vector.load %arg7[%get3A_42, %get3A_43] : memref<2048x1024xf32, #tpu.memory_space<vmem>>, vector<1x1024xf32>
        %swap3A = arith.index_cast %while3A_38 : i32 to index
        %swap3A_45 = arith.constant 0 : index
        %swap3A_46 = vector.load %arg19[%swap3A, %swap3A_45] : memref<128x1024xf32, #tpu.memory_space<vmem>>, vector<1x1024xf32>
        tpu.vector_store %arg19[%swap3A, %swap3A_45], %get3A_44 {strides = array<i32>} : memref<128x1024xf32, #tpu.memory_space<vmem>>, vector<1x1024xf32>,
        %while3A_47 = arith.constant 0 : i32
        scf.yield %while3A_47 : i32
      }
      %while3A_36 = arith.constant 1 : i32
      %while3A_37 = scf.for %while3A_38 = %while3A_33 to %while3A_29 step %while3A_36 iter_args(%while3A_39 = %while3A_35) -> (i32)  : i32 {
        %add3A = arith.addi %get3A_6, %while3A_38 : i32
        %get3A_40 = arith.index_cast %add3A : i32 to index
        %get3A_41 = memref.load %arg5[%get3A_40] : memref<4096xi32, #tpu.memory_space<smem>>
        %get3A_42 = arith.index_cast %get3A_41 : i32 to index
        %get3A_43 = arith.constant 0 : index
        %get3A_44 = vector.load %arg7[%get3A_42, %get3A_43] : memref<2048x1024xf32, #tpu.memory_space<vmem>>, vector<1x1024xf32>
        %swap3A = arith.index_cast %while3A_38 : i32 to index
        %swap3A_45 = arith.constant 0 : index
        %swap3A_46 = vector.load %arg19[%swap3A, %swap3A_45] : memref<128x1024xf32, #tpu.memory_space<vmem>>, vector<1x1024xf32>
        tpu.vector_store %arg19[%swap3A, %swap3A_45], %get3A_44 {strides = array<i32>} : memref<128x1024xf32, #tpu.memory_space<vmem>>, vector<1x1024xf32>,
        %while3A_47 = arith.constant 0 : i32
        scf.yield %while3A_47 : i32
      }
    } else {
    }
    %gt3A_14 = arith.constant 0 : i32
    %gt3A_15 = arith.cmpi sgt, %get3A_4, %gt3A_14 : i32
    %convert_element_type3A_16 = arith.extui %gt3A_15 : i1 to i32
    %cond3A_17 = arith.constant 0 : i32
    %cond3A_18 = arith.cmpi ne, %convert_element_type3A_16, %cond3A_17 : i32
    scf.if %cond3A_18 {
      %scan3A = arith.constant 0 : i32
      %scan3A_27 = arith.constant 16 : i32
      %scan3A_28 = arith.addi %scan3A, %scan3A_27 : i32
      %scan3A_29 = arith.constant 1 : i32
      scf.for %scan3A_111 = %scan3A to %scan3A_28 step %scan3A_29  : i32 {
        %mul3A_112 = arith.constant 128 : i32
        %mul3A_113 = arith.muli %scan3A_111, %mul3A_112 : i32
        %get3A_114 = arith.constant 0 : index
        %get3A_115 = arith.index_cast %mul3A_113 : i32 to index
        %get3A_116 = arith.constant 0 : index
        %get3A_117 = vector.load %arg8[%get3A_114, %get3A_115, %get3A_116] : memref<1x2048x512xi8, #tpu.memory_space<vmem>>, vector<1x128x512xi8>
        %get3A_118 = vector.shape_cast %get3A_117 : vector<1x128x512xi8> to vector<128x512xi8>
        %convert_element_type3A_119 = arith.extui %get3A_118 : vector<128x512xi8> to vector<128x512xi32>
        %get3A_120 = arith.constant 0 : index
        %get3A_121 = arith.index_cast %mul3A_113 : i32 to index
        %get3A_122 = arith.constant 0 : index
        %get3A_123 = vector.load %arg9[%get3A_120, %get3A_121, %get3A_122] : memref<1x2048x32xi8, #tpu.memory_space<vmem>>, vector<1x128x32xi8>
        %get3A_124 = vector.shape_cast %get3A_123 : vector<1x128x32xi8> to vector<128x32xi8>
        %convert_element_type3A_125 = arith.uitofp %get3A_124 : vector<128x32xi8> to vector<128x32xf32>
        %sub3A = arith.constant 1.270000e+02 : f32
        %sub3A_126 = vector.broadcast %sub3A : f32 to vector<128x32xf32>
        %sub3A_127 = arith.subf %convert_element_type3A_125, %sub3A_126 : vector<128x32xf32>
        %exp23A = math.exp2 %sub3A_127 : vector<128x32xf32>
        %convert_element_type3A_128 = arith.truncf %exp23A : vector<128x32xf32> to vector<128x32xbf16>
        %get3A_129 = arith.constant 0 : index
        %get3A_130 = arith.constant 0 : index
        %get3A_131 = vector.load %arg14[%get3A_129, %get3A_130] : memref<32x512xbf16, #tpu.memory_space<vmem>>, vector<32x512xbf16>
        %dot_general3A_132 = arith.constant dense<0.000000e+00> : vector<128x512xf32>
        %dot_general3A_133 = tpu.matmul %convert_element_type3A_128, %get3A_131, %dot_general3A_132 {dimension_numbers = #tpu.dot_dimension_numbers<[1], [0], [0], [1], [0, 0, 1, 1], [], []>, transpose_lhs_hint = false} : vector<128x32xbf16>, vector<32x512xbf16>, vector<128x512xf32> -> vector<128x512xf32>
        %convert_element_type3A_134 = arith.truncf %dot_general3A_133 : vector<128x512xf32> to vector<128x512xbf16>
        %and3A_135 = arith.constant 15 : i32
        %and3A_136 = vector.broadcast %and3A_135 : i32 to vector<128x512xi32>
        %and3A_137 = arith.andi %convert_element_type3A_119, %and3A_136 : vector<128x512xi32>
        %and3A_138 = arith.constant 8 : i32
        %and3A_139 = vector.broadcast %and3A_138 : i32 to vector<128x512xi32>
        %and3A_140 = arith.andi %and3A_137, %and3A_139 : vector<128x512xi32>
        %shift_left3A = arith.constant 28 : i32
        %shift_left3A_141 = vector.broadcast %shift_left3A : i32 to vector<128x512xi32>
        %shift_left3A_142 = arith.shli %and3A_140, %shift_left3A_141 : vector<128x512xi32>
        %and3A_143 = arith.constant 7 : i32
        %and3A_144 = vector.broadcast %and3A_143 : i32 to vector<128x512xi32>
        %and3A_145 = arith.andi %and3A_137, %and3A_144 : vector<128x512xi32>
        %shift_right_arithmetic3A = arith.constant 1 : i32
        %shift_right_arithmetic3A_146 = vector.broadcast %shift_right_arithmetic3A : i32 to vector<128x512xi32>
        %shift_right_arithmetic3A_147 = arith.shrsi %and3A_145, %shift_right_arithmetic3A_146 : vector<128x512xi32>
        %and3A_148 = arith.constant 1 : i32
        %and3A_149 = vector.broadcast %and3A_148 : i32 to vector<128x512xi32>
        %and3A_150 = arith.andi %and3A_145, %and3A_149 : vector<128x512xi32>
        %add3A_151 = arith.constant 126 : i32
        %add3A_152 = vector.broadcast %add3A_151 : i32 to vector<128x512xi32>
        %add3A_153 = arith.addi %add3A_152, %shift_right_arithmetic3A_147 : vector<128x512xi32>
        %shift_left3A_154 = arith.constant 23 : i32
        %shift_left3A_155 = vector.broadcast %shift_left3A_154 : i32 to vector<128x512xi32>
        %shift_left3A_156 = arith.shli %add3A_153, %shift_left3A_155 : vector<128x512xi32>
        %shift_left3A_157 = arith.constant 22 : i32
        %shift_left3A_158 = vector.broadcast %shift_left3A_157 : i32 to vector<128x512xi32>
        %shift_left3A_159 = arith.shli %and3A_150, %shift_left3A_158 : vector<128x512xi32>
        %or3A = arith.ori %shift_left3A_156, %shift_left3A_159 : vector<128x512xi32>
        %eq3A_160 = arith.constant 1 : i32
        %eq3A_161 = vector.broadcast %eq3A_160 : i32 to vector<128x512xi32>
        %eq3A_162 = arith.cmpi eq, %and3A_150, %eq3A_161 : vector<128x512xi32>
        %broadcast_in_dim3A = arith.constant 1056964608 : i32
        %broadcast_in_dim3A_163 = vector.broadcast %broadcast_in_dim3A : i32 to vector<128x512xi32>
        %broadcast_in_dim3A_164 = arith.constant 0 : i32
        %broadcast_in_dim3A_165 = vector.broadcast %broadcast_in_dim3A_164 : i32 to vector<128x512xi32>
        %select_n3A = arith.select %eq3A_162, %broadcast_in_dim3A_163, %broadcast_in_dim3A_165 : vector<128x512xi1>, vector<128x512xi32>
        %eq3A_166 = arith.constant 0 : i32
        %eq3A_167 = vector.broadcast %eq3A_166 : i32 to vector<128x512xi32>
        %eq3A_168 = arith.cmpi eq, %shift_right_arithmetic3A_147, %eq3A_167 : vector<128x512xi32>
        %select_n3A_169 = arith.select %eq3A_168, %select_n3A, %or3A : vector<128x512xi1>, vector<128x512xi32>
        %or3A_170 = arith.ori %shift_left3A_142, %select_n3A_169 : vector<128x512xi32>
        %bitcast_convert_type3A = tpu.bitcast %or3A_170 : vector<128x512xi32> -> vector<128x512xf32>
        %convert_element_type3A_171 = arith.truncf %bitcast_convert_type3A : vector<128x512xf32> to vector<128x512xbf16>
        %mul3A_172 = arith.mulf %convert_element_type3A_171, %convert_element_type3A_134 : vector<128x512xbf16>
        %swap3A = arith.index_cast %mul3A_113 : i32 to index
        %swap3A_173 = arith.constant 0 : index
        %swap3A_174 = vector.load %arg21[%swap3A, %swap3A_173] : memref<2048x512xbf16, #tpu.memory_space<vmem>>, vector<128x512xbf16>
        tpu.vector_store %arg21[%swap3A, %swap3A_173], %mul3A_172 {strides = array<i32>} : memref<2048x512xbf16, #tpu.memory_space<vmem>>, vector<128x512xbf16>,
        %shift_right_arithmetic3A_175 = arith.constant 4 : i32
        %shift_right_arithmetic3A_176 = vector.broadcast %shift_right_arithmetic3A_175 : i32 to vector<128x512xi32>
        %shift_right_arithmetic3A_177 = arith.shrsi %convert_element_type3A_119, %shift_right_arithmetic3A_176 : vector<128x512xi32>
        %and3A_178 = arith.constant 8 : i32
        %and3A_179 = vector.broadcast %and3A_178 : i32 to vector<128x512xi32>
        %and3A_180 = arith.andi %shift_right_arithmetic3A_177, %and3A_179 : vector<128x512xi32>
        %shift_left3A_181 = arith.constant 28 : i32
        %shift_left3A_182 = vector.broadcast %shift_left3A_181 : i32 to vector<128x512xi32>
        %shift_left3A_183 = arith.shli %and3A_180, %shift_left3A_182 : vector<128x512xi32>
        %and3A_184 = arith.constant 7 : i32
        %and3A_185 = vector.broadcast %and3A_184 : i32 to vector<128x512xi32>
        %and3A_186 = arith.andi %shift_right_arithmetic3A_177, %and3A_185 : vector<128x512xi32>
        %shift_right_arithmetic3A_187 = arith.constant 1 : i32
        %shift_right_arithmetic3A_188 = vector.broadcast %shift_right_arithmetic3A_187 : i32 to vector<128x512xi32>
        %shift_right_arithmetic3A_189 = arith.shrsi %and3A_186, %shift_right_arithmetic3A_188 : vector<128x512xi32>
        %and3A_190 = arith.constant 1 : i32
        %and3A_191 = vector.broadcast %and3A_190 : i32 to vector<128x512xi32>
        %and3A_192 = arith.andi %and3A_186, %and3A_191 : vector<128x512xi32>
        %add3A_193 = arith.constant 126 : i32
        %add3A_194 = vector.broadcast %add3A_193 : i32 to vector<128x512xi32>
        %add3A_195 = arith.addi %add3A_194, %shift_right_arithmetic3A_189 : vector<128x512xi32>
        %shift_left3A_196 = arith.constant 23 : i32
        %shift_left3A_197 = vector.broadcast %shift_left3A_196 : i32 to vector<128x512xi32>
        %shift_left3A_198 = arith.shli %add3A_195, %shift_left3A_197 : vector<128x512xi32>
        %shift_left3A_199 = arith.constant 22 : i32
        %shift_left3A_200 = vector.broadcast %shift_left3A_199 : i32 to vector<128x512xi32>
        %shift_left3A_201 = arith.shli %and3A_192, %shift_left3A_200 : vector<128x512xi32>
        %or3A_202 = arith.ori %shift_left3A_198, %shift_left3A_201 : vector<128x512xi32>
        %eq3A_203 = arith.constant 1 : i32
        %eq3A_204 = vector.broadcast %eq3A_203 : i32 to vector<128x512xi32>
        %eq3A_205 = arith.cmpi eq, %and3A_192, %eq3A_204 : vector<128x512xi32>
        %broadcast_in_dim3A_206 = arith.constant 1056964608 : i32
        %broadcast_in_dim3A_207 = vector.broadcast %broadcast_in_dim3A_206 : i32 to vector<128x512xi32>
        %broadcast_in_dim3A_208 = arith.constant 0 : i32
        %broadcast_in_dim3A_209 = vector.broadcast %broadcast_in_dim3A_208 : i32 to vector<128x512xi32>
        %select_n3A_210 = arith.select %eq3A_205, %broadcast_in_dim3A_207, %broadcast_in_dim3A_209 : vector<128x512xi1>, vector<128x512xi32>
        %eq3A_211 = arith.constant 0 : i32
        %eq3A_212 = vector.broadcast %eq3A_211 : i32 to vector<128x512xi32>
        %eq3A_213 = arith.cmpi eq, %shift_right_arithmetic3A_189, %eq3A_212 : vector<128x512xi32>
        %select_n3A_214 = arith.select %eq3A_213, %select_n3A_210, %or3A_202 : vector<128x512xi1>, vector<128x512xi32>
        %or3A_215 = arith.ori %shift_left3A_183, %select_n3A_214 : vector<128x512xi32>
        %bitcast_convert_type3A_216 = tpu.bitcast %or3A_215 : vector<128x512xi32> -> vector<128x512xf32>
        %convert_element_type3A_217 = arith.truncf %bitcast_convert_type3A_216 : vector<128x512xf32> to vector<128x512xbf16>
        %mul3A_218 = arith.mulf %convert_element_type3A_217, %convert_element_type3A_134 : vector<128x512xbf16>
        %swap3A_219 = arith.index_cast %mul3A_113 : i32 to index
        %swap3A_220 = arith.constant 0 : index
        %swap3A_221 = vector.load %arg22[%swap3A_219, %swap3A_220] : memref<2048x512xbf16, #tpu.memory_space<vmem>>, vector<128x512xbf16>
        tpu.vector_store %arg22[%swap3A_219, %swap3A_220], %mul3A_218 {strides = array<i32>} : memref<2048x512xbf16, #tpu.memory_space<vmem>>, vector<128x512xbf16>,
      }
      %scan3A_30 = arith.constant 16 : i32
      %scan3A_31 = arith.constant 0 : i32
      %scan3A_32 = arith.constant 8 : i32
      %scan3A_33 = arith.addi %scan3A_31, %scan3A_32 : i32
      %scan3A_34 = arith.constant 1 : i32
      scf.for %scan3A_111 = %scan3A_31 to %scan3A_33 step %scan3A_34  : i32 {
        %mul3A_112 = arith.constant 128 : i32
        %mul3A_113 = arith.muli %scan3A_111, %mul3A_112 : i32
        %get3A_114 = arith.constant 0 : index
        %get3A_115 = arith.index_cast %mul3A_113 : i32 to index
        %get3A_116 = arith.constant 0 : index
        %get3A_117 = vector.load %arg10[%get3A_114, %get3A_115, %get3A_116] : memref<1x1024x512xi8, #tpu.memory_space<vmem>>, vector<1x128x512xi8>
        %get3A_118 = vector.shape_cast %get3A_117 : vector<1x128x512xi8> to vector<128x512xi8>
        %convert_element_type3A_119 = arith.extui %get3A_118 : vector<128x512xi8> to vector<128x512xi32>
        %get3A_120 = arith.constant 0 : index
        %get3A_121 = arith.constant 0 : index
        %get3A_122 = arith.index_cast %mul3A_113 : i32 to index
        %get3A_123 = arith.constant 0 : index
        %get3A_124 = vector.load %arg11[%get3A_120, %get3A_121, %get3A_122, %get3A_123] : memref<1x1x1024x32xi8, #tpu.memory_space<vmem>>, vector<1x1x128x32xi8>
        %get3A_125 = vector.shape_cast %get3A_124 : vector<1x1x128x32xi8> to vector<128x32xi8>
        %convert_element_type3A_126 = arith.uitofp %get3A_125 : vector<128x32xi8> to vector<128x32xf32>
        %sub3A = arith.constant 1.270000e+02 : f32
        %sub3A_127 = vector.broadcast %sub3A : f32 to vector<128x32xf32>
        %sub3A_128 = arith.subf %convert_element_type3A_126, %sub3A_127 : vector<128x32xf32>
        %exp23A = math.exp2 %sub3A_128 : vector<128x32xf32>
        %convert_element_type3A_129 = arith.truncf %exp23A : vector<128x32xf32> to vector<128x32xbf16>
        %get3A_130 = arith.constant 0 : index
        %get3A_131 = arith.constant 0 : index
        %get3A_132 = vector.load %arg15[%get3A_130, %get3A_131] : memref<32x512xbf16, #tpu.memory_space<vmem>>, vector<32x512xbf16>
        %dot_general3A_133 = arith.constant dense<0.000000e+00> : vector<128x512xf32>
        %dot_general3A_134 = tpu.matmul %convert_element_type3A_129, %get3A_132, %dot_general3A_133 {dimension_numbers = #tpu.dot_dimension_numbers<[1], [0], [0], [1], [0, 0, 1, 1], [], []>, transpose_lhs_hint = false} : vector<128x32xbf16>, vector<32x512xbf16>, vector<128x512xf32> -> vector<128x512xf32>
        %convert_element_type3A_135 = arith.truncf %dot_general3A_134 : vector<128x512xf32> to vector<128x512xbf16>
        %and3A_136 = arith.constant 15 : i32
        %and3A_137 = vector.broadcast %and3A_136 : i32 to vector<128x512xi32>
        %and3A_138 = arith.andi %convert_element_type3A_119, %and3A_137 : vector<128x512xi32>
        %and3A_139 = arith.constant 8 : i32
        %and3A_140 = vector.broadcast %and3A_139 : i32 to vector<128x512xi32>
        %and3A_141 = arith.andi %and3A_138, %and3A_140 : vector<128x512xi32>
        %shift_left3A = arith.constant 28 : i32
        %shift_left3A_142 = vector.broadcast %shift_left3A : i32 to vector<128x512xi32>
        %shift_left3A_143 = arith.shli %and3A_141, %shift_left3A_142 : vector<128x512xi32>
        %and3A_144 = arith.constant 7 : i32
        %and3A_145 = vector.broadcast %and3A_144 : i32 to vector<128x512xi32>
        %and3A_146 = arith.andi %and3A_138, %and3A_145 : vector<128x512xi32>
        %shift_right_arithmetic3A = arith.constant 1 : i32
        %shift_right_arithmetic3A_147 = vector.broadcast %shift_right_arithmetic3A : i32 to vector<128x512xi32>
        %shift_right_arithmetic3A_148 = arith.shrsi %and3A_146, %shift_right_arithmetic3A_147 : vector<128x512xi32>
        %and3A_149 = arith.constant 1 : i32
        %and3A_150 = vector.broadcast %and3A_149 : i32 to vector<128x512xi32>
        %and3A_151 = arith.andi %and3A_146, %and3A_150 : vector<128x512xi32>
        %add3A_152 = arith.constant 126 : i32
        %add3A_153 = vector.broadcast %add3A_152 : i32 to vector<128x512xi32>
        %add3A_154 = arith.addi %add3A_153, %shift_right_arithmetic3A_148 : vector<128x512xi32>
        %shift_left3A_155 = arith.constant 23 : i32
        %shift_left3A_156 = vector.broadcast %shift_left3A_155 : i32 to vector<128x512xi32>
        %shift_left3A_157 = arith.shli %add3A_154, %shift_left3A_156 : vector<128x512xi32>
        %shift_left3A_158 = arith.constant 22 : i32
        %shift_left3A_159 = vector.broadcast %shift_left3A_158 : i32 to vector<128x512xi32>
        %shift_left3A_160 = arith.shli %and3A_151, %shift_left3A_159 : vector<128x512xi32>
        %or3A = arith.ori %shift_left3A_157, %shift_left3A_160 : vector<128x512xi32>
        %eq3A_161 = arith.constant 1 : i32
        %eq3A_162 = vector.broadcast %eq3A_161 : i32 to vector<128x512xi32>
        %eq3A_163 = arith.cmpi eq, %and3A_151, %eq3A_162 : vector<128x512xi32>
        %broadcast_in_dim3A = arith.constant 1056964608 : i32
        %broadcast_in_dim3A_164 = vector.broadcast %broadcast_in_dim3A : i32 to vector<128x512xi32>
        %broadcast_in_dim3A_165 = arith.constant 0 : i32
        %broadcast_in_dim3A_166 = vector.broadcast %broadcast_in_dim3A_165 : i32 to vector<128x512xi32>
        %select_n3A = arith.select %eq3A_163, %broadcast_in_dim3A_164, %broadcast_in_dim3A_166 : vector<128x512xi1>, vector<128x512xi32>
        %eq3A_167 = arith.constant 0 : i32
        %eq3A_168 = vector.broadcast %eq3A_167 : i32 to vector<128x512xi32>
        %eq3A_169 = arith.cmpi eq, %shift_right_arithmetic3A_148, %eq3A_168 : vector<128x512xi32>
        %select_n3A_170 = arith.select %eq3A_169, %select_n3A, %or3A : vector<128x512xi1>, vector<128x512xi32>
        %or3A_171 = arith.ori %shift_left3A_143, %select_n3A_170 : vector<128x512xi32>
        %bitcast_convert_type3A = tpu.bitcast %or3A_171 : vector<128x512xi32> -> vector<128x512xf32>
        %convert_element_type3A_172 = arith.truncf %bitcast_convert_type3A : vector<128x512xf32> to vector<128x512xbf16>
        %mul3A_173 = arith.mulf %convert_element_type3A_172, %convert_element_type3A_135 : vector<128x512xbf16>
        %swap3A = arith.index_cast %mul3A_113 : i32 to index
        %swap3A_174 = arith.constant 0 : index
        %swap3A_175 = vector.load %arg23[%swap3A, %swap3A_174] : memref<1024x512xbf16, #tpu.memory_space<vmem>>, vector<128x512xbf16>
        tpu.vector_store %arg23[%swap3A, %swap3A_174], %mul3A_173 {strides = array<i32>} : memref<1024x512xbf16, #tpu.memory_space<vmem>>, vector<128x512xbf16>,
        %shift_right_arithmetic3A_176 = arith.constant 4 : i32
        %shift_right_arithmetic3A_177 = vector.broadcast %shift_right_arithmetic3A_176 : i32 to vector<128x512xi32>
        %shift_right_arithmetic3A_178 = arith.shrsi %convert_element_type3A_119, %shift_right_arithmetic3A_177 : vector<128x512xi32>
        %and3A_179 = arith.constant 8 : i32
        %and3A_180 = vector.broadcast %and3A_179 : i32 to vector<128x512xi32>
        %and3A_181 = arith.andi %shift_right_arithmetic3A_178, %and3A_180 : vector<128x512xi32>
        %shift_left3A_182 = arith.constant 28 : i32
        %shift_left3A_183 = vector.broadcast %shift_left3A_182 : i32 to vector<128x512xi32>
        %shift_left3A_184 = arith.shli %and3A_181, %shift_left3A_183 : vector<128x512xi32>
        %and3A_185 = arith.constant 7 : i32
        %and3A_186 = vector.broadcast %and3A_185 : i32 to vector<128x512xi32>
        %and3A_187 = arith.andi %shift_right_arithmetic3A_178, %and3A_186 : vector<128x512xi32>
        %shift_right_arithmetic3A_188 = arith.constant 1 : i32
        %shift_right_arithmetic3A_189 = vector.broadcast %shift_right_arithmetic3A_188 : i32 to vector<128x512xi32>
        %shift_right_arithmetic3A_190 = arith.shrsi %and3A_187, %shift_right_arithmetic3A_189 : vector<128x512xi32>
        %and3A_191 = arith.constant 1 : i32
        %and3A_192 = vector.broadcast %and3A_191 : i32 to vector<128x512xi32>
        %and3A_193 = arith.andi %and3A_187, %and3A_192 : vector<128x512xi32>
        %add3A_194 = arith.constant 126 : i32
        %add3A_195 = vector.broadcast %add3A_194 : i32 to vector<128x512xi32>
        %add3A_196 = arith.addi %add3A_195, %shift_right_arithmetic3A_190 : vector<128x512xi32>
        %shift_left3A_197 = arith.constant 23 : i32
        %shift_left3A_198 = vector.broadcast %shift_left3A_197 : i32 to vector<128x512xi32>
        %shift_left3A_199 = arith.shli %add3A_196, %shift_left3A_198 : vector<128x512xi32>
        %shift_left3A_200 = arith.constant 22 : i32
        %shift_left3A_201 = vector.broadcast %shift_left3A_200 : i32 to vector<128x512xi32>
        %shift_left3A_202 = arith.shli %and3A_193, %shift_left3A_201 : vector<128x512xi32>
        %or3A_203 = arith.ori %shift_left3A_199, %shift_left3A_202 : vector<128x512xi32>
        %eq3A_204 = arith.constant 1 : i32
        %eq3A_205 = vector.broadcast %eq3A_204 : i32 to vector<128x512xi32>
        %eq3A_206 = arith.cmpi eq, %and3A_193, %eq3A_205 : vector<128x512xi32>
        %broadcast_in_dim3A_207 = arith.constant 1056964608 : i32
        %broadcast_in_dim3A_208 = vector.broadcast %broadcast_in_dim3A_207 : i32 to vector<128x512xi32>
        %broadcast_in_dim3A_209 = arith.constant 0 : i32
        %broadcast_in_dim3A_210 = vector.broadcast %broadcast_in_dim3A_209 : i32 to vector<128x512xi32>
        %select_n3A_211 = arith.select %eq3A_206, %broadcast_in_dim3A_208, %broadcast_in_dim3A_210 : vector<128x512xi1>, vector<128x512xi32>
        %eq3A_212 = arith.constant 0 : i32
        %eq3A_213 = vector.broadcast %eq3A_212 : i32 to vector<128x512xi32>
        %eq3A_214 = arith.cmpi eq, %shift_right_arithmetic3A_190, %eq3A_213 : vector<128x512xi32>
        %select_n3A_215 = arith.select %eq3A_214, %select_n3A_211, %or3A_203 : vector<128x512xi1>, vector<128x512xi32>
        %or3A_216 = arith.ori %shift_left3A_184, %select_n3A_215 : vector<128x512xi32>
        %bitcast_convert_type3A_217 = tpu.bitcast %or3A_216 : vector<128x512xi32> -> vector<128x512xf32>
        %convert_element_type3A_218 = arith.truncf %bitcast_convert_type3A_217 : vector<128x512xf32> to vector<128x512xbf16>
        %mul3A_219 = arith.mulf %convert_element_type3A_218, %convert_element_type3A_135 : vector<128x512xbf16>
        %swap3A_220 = arith.index_cast %mul3A_113 : i32 to index
        %swap3A_221 = arith.constant 0 : index
        %swap3A_222 = vector.load %arg24[%swap3A_220, %swap3A_221] : memref<1024x512xbf16, #tpu.memory_space<vmem>>, vector<128x512xbf16>
        tpu.vector_store %arg24[%swap3A_220, %swap3A_221], %mul3A_219 {strides = array<i32>} : memref<1024x512xbf16, #tpu.memory_space<vmem>>, vector<128x512xbf16>,
      }
      %scan3A_35 = arith.constant 8 : i32
      %get3A_36 = arith.constant 0 : index
      %get3A_37 = arith.constant 0 : index
      %get3A_38 = vector.load %arg19[%get3A_36, %get3A_37] : memref<128x1024xf32, #tpu.memory_space<vmem>>, vector<128x1024xf32>
      %convert_element_type3A_39 = arith.truncf %get3A_38 : vector<128x1024xf32> to vector<128x1024xbf16>
      %slice3A = vector.extract_strided_slice %convert_element_type3A_39 {offsets = [0, 0], sizes = [128, 512], strides = [1, 1]} : vector<128x1024xbf16> to vector<128x512xbf16>
      %slice3A_40 = vector.extract_strided_slice %convert_element_type3A_39 {offsets = [0, 512], sizes = [128, 512], strides = [1, 1]} : vector<128x1024xbf16> to vector<128x512xbf16>
      %get3A_41 = arith.constant 0 : index
      %get3A_42 = arith.constant 0 : index
      %get3A_43 = vector.load %arg21[%get3A_41, %get3A_42] : memref<2048x512xbf16, #tpu.memory_space<vmem>>, vector<2048x512xbf16>
      %dot_general3A = arith.constant dense<0.000000e+00> : vector<128x2048xf32>
      %dot_general3A_44 = tpu.matmul %slice3A, %get3A_43, %dot_general3A {dimension_numbers = #tpu.dot_dimension_numbers<[1], [1], [0], [0], [0, 0, 1, 0], [], []>, transpose_lhs_hint = false} : vector<128x512xbf16>, vector<2048x512xbf16>, vector<128x2048xf32> -> vector<128x2048xf32>
      %get3A_45 = arith.constant 0 : index
      %get3A_46 = arith.constant 0 : index
      %get3A_47 = vector.load %arg22[%get3A_45, %get3A_46] : memref<2048x512xbf16, #tpu.memory_space<vmem>>, vector<2048x512xbf16>
      %dot_general3A_48 = arith.constant dense<0.000000e+00> : vector<128x2048xf32>
      %dot_general3A_49 = tpu.matmul %slice3A_40, %get3A_47, %dot_general3A_48 {dimension_numbers = #tpu.dot_dimension_numbers<[1], [1], [0], [0], [0, 0, 1, 0], [], []>, transpose_lhs_hint = false} : vector<128x512xbf16>, vector<2048x512xbf16>, vector<128x2048xf32> -> vector<128x2048xf32>
      %add3A = arith.addf %dot_general3A_44, %dot_general3A_49 : vector<128x2048xf32>
      %get3A_50 = arith.constant 0 : index
      %get3A_51 = arith.constant 0 : index
      %get3A_52 = arith.constant 0 : index
      %get3A_53 = vector.load %arg12[%get3A_50, %get3A_51, %get3A_52] : memref<1x1x2048xf32, #tpu.memory_space<vmem>>, vector<1x1x2048xf32>
      %get3A_54 = vector.shape_cast %get3A_53 : vector<1x1x2048xf32> to vector<1x2048xf32>
      %add3A_55 = vector.broadcast %get3A_54 : vector<1x2048xf32> to vector<128x2048xf32>
      %add3A_56 = arith.addf %add3A, %add3A_55 : vector<128x2048xf32>
      %min3A = arith.constant 7.000000e+00 : f32
      %min3A_57 = vector.broadcast %min3A : f32 to vector<128x2048xf32>
      %min3A_58 = arith.minimumf %add3A_56, %min3A_57 : vector<128x2048xf32>
      %jit3A = arith.constant -7.000000e+00 : f32
      %jit3A_59 = arith.constant 7.000000e+00 : f32
      %max3A = vector.broadcast %jit3A : f32 to vector<128x2048xf32>
      %max3A_60 = arith.maximumf %max3A, %add3A_56 : vector<128x2048xf32>
      %min3A_61 = vector.broadcast %jit3A_59 : f32 to vector<128x2048xf32>
      %min3A_62 = arith.minimumf %min3A_61, %max3A_60 : vector<128x2048xf32>
      %mul3A = arith.constant 1.702000e+00 : f32
      %mul3A_63 = vector.broadcast %mul3A : f32 to vector<128x2048xf32>
      %mul3A_64 = arith.mulf %min3A_58, %mul3A_63 : vector<128x2048xf32>
      %logistic3A = arith.negf %mul3A_64 : vector<128x2048xf32>
      %logistic3A_65 = math.exp %logistic3A : vector<128x2048xf32>
      %logistic3A_66 = arith.constant 1.000000e+00 : f32
      %logistic3A_67 = vector.broadcast %logistic3A_66 : f32 to vector<128x2048xf32>
      %logistic3A_68 = arith.addf %logistic3A_67, %logistic3A_65 : vector<128x2048xf32>
      %logistic3A_69 = arith.divf %logistic3A_67, %logistic3A_68 : vector<128x2048xf32>
      %mul3A_70 = arith.mulf %min3A_58, %logistic3A_69 : vector<128x2048xf32>
      %slice3A_71 = vector.extract_strided_slice %min3A_62 {offsets = [0, 1], sizes = [128, 2047], strides = [1, 1]} : vector<128x2048xf32> to vector<128x2047xf32>
      %slice3A_72 = vector.extract_strided_slice %min3A_62 {offsets = [0, 0], sizes = [128, 1], strides = [1, 1]} : vector<128x2048xf32> to vector<128x1xf32>
      %concatenate3A = tpu.concatenate %slice3A_71, %slice3A_72 in 1 : vector<128x2047xf32>, vector<128x1xf32> -> vector<128x2048xf32>
      %add3A_73 = arith.constant 1.000000e+00 : f32
      %add3A_74 = vector.broadcast %add3A_73 : f32 to vector<128x2048xf32>
      %add3A_75 = arith.addf %concatenate3A, %add3A_74 : vector<128x2048xf32>
      %mul3A_76 = arith.mulf %add3A_75, %mul3A_70 : vector<128x2048xf32>
      %convert_element_type3A_77 = arith.truncf %mul3A_76 : vector<128x2048xf32> to vector<128x2048xbf16>
      %get3A_78 = arith.constant 0 : index
      %get3A_79 = arith.constant 0 : index
      %get3A_80 = vector.load %arg16[%get3A_78, %get3A_79] : memref<2048x512xbf16, #tpu.memory_space<vmem>>, vector<2048x512xbf16>
      %dot_general3A_81 = arith.constant dense<0.000000e+00> : vector<128x512xf32>
      %dot_general3A_82 = tpu.matmul %convert_element_type3A_77, %get3A_80, %dot_general3A_81 {dimension_numbers = #tpu.dot_dimension_numbers<[1], [0], [0], [1], [0, 0, 1, 1], [], []>, transpose_lhs_hint = false} : vector<128x2048xbf16>, vector<2048x512xbf16>, vector<128x512xf32> -> vector<128x512xf32>
      %convert_element_type3A_83 = arith.truncf %dot_general3A_82 : vector<128x512xf32> to vector<128x512xbf16>
      %get3A_84 = arith.constant 0 : index
      %get3A_85 = arith.constant 0 : index
      %get3A_86 = vector.load %arg17[%get3A_84, %get3A_85] : memref<2048x512xbf16, #tpu.memory_space<vmem>>, vector<2048x512xbf16>
      %dot_general3A_87 = arith.constant dense<0.000000e+00> : vector<128x512xf32>
      %dot_general3A_88 = tpu.matmul %convert_element_type3A_77, %get3A_86, %dot_general3A_87 {dimension_numbers = #tpu.dot_dimension_numbers<[1], [0], [0], [1], [0, 0, 1, 1], [], []>, transpose_lhs_hint = false} : vector<128x2048xbf16>, vector<2048x512xbf16>, vector<128x512xf32> -> vector<128x512xf32>
      %convert_element_type3A_89 = arith.truncf %dot_general3A_88 : vector<128x512xf32> to vector<128x512xbf16>
      %get3A_90 = arith.constant 0 : index
      %get3A_91 = arith.constant 0 : index
      %get3A_92 = vector.load %arg23[%get3A_90, %get3A_91] : memref<1024x512xbf16, #tpu.memory_space<vmem>>, vector<1024x512xbf16>
      %dot_general3A_93 = arith.constant dense<0.000000e+00> : vector<128x1024xf32>
      %dot_general3A_94 = tpu.matmul %convert_element_type3A_83, %get3A_92, %dot_general3A_93 {dimension_numbers = #tpu.dot_dimension_numbers<[1], [1], [0], [0], [0, 0, 1, 0], [], []>, transpose_lhs_hint = false} : vector<128x512xbf16>, vector<1024x512xbf16>, vector<128x1024xf32> -> vector<128x1024xf32>
      %get3A_95 = arith.constant 0 : index
      %get3A_96 = arith.constant 0 : index
      %get3A_97 = vector.load %arg24[%get3A_95, %get3A_96] : memref<1024x512xbf16, #tpu.memory_space<vmem>>, vector<1024x512xbf16>
      %dot_general3A_98 = arith.constant dense<0.000000e+00> : vector<128x1024xf32>
      %dot_general3A_99 = tpu.matmul %convert_element_type3A_89, %get3A_97, %dot_general3A_98 {dimension_numbers = #tpu.dot_dimension_numbers<[1], [1], [0], [0], [0, 0, 1, 0], [], []>, transpose_lhs_hint = false} : vector<128x512xbf16>, vector<1024x512xbf16>, vector<128x1024xf32> -> vector<128x1024xf32>
      %add3A_100 = arith.addf %dot_general3A_94, %dot_general3A_99 : vector<128x1024xf32>
      %eq3A_101 = arith.constant 0 : i32
      %eq3A_102 = arith.cmpi eq, %arg1, %eq3A_101 : i32
      %convert_element_type3A_103 = arith.extui %eq3A_102 : i1 to i32
      %cond3A_104 = arith.constant 0 : i32
      %cond3A_105 = arith.cmpi ne, %convert_element_type3A_103, %cond3A_104 : i32
      scf.if %cond3A_105 {
        %swap3A = arith.constant 0 : index
        %swap3A_111 = arith.constant 0 : index
        %swap3A_112 = vector.load %arg20[%swap3A, %swap3A_111] : memref<128x1024xf32, #tpu.memory_space<vmem>>, vector<128x1024xf32>
        tpu.vector_store %arg20[%swap3A, %swap3A_111], %add3A_100 {strides = array<i32>} : memref<128x1024xf32, #tpu.memory_space<vmem>>, vector<128x1024xf32>,
      } else {
      }
      %gt3A_106 = arith.constant 0 : i32
      %gt3A_107 = arith.cmpi sgt, %arg1, %gt3A_106 : i32
      %convert_element_type3A_108 = arith.extui %gt3A_107 : i1 to i32
      %cond3A_109 = arith.constant 0 : i32
      %cond3A_110 = arith.cmpi ne, %convert_element_type3A_108, %cond3A_109 : i32
      scf.if %cond3A_110 {
        %get3A_111 = arith.constant 0 : index
        %get3A_112 = arith.constant 0 : index
        %get3A_113 = vector.load %arg20[%get3A_111, %get3A_112] : memref<128x1024xf32, #tpu.memory_space<vmem>>, vector<128x1024xf32>
        %add3A_114 = arith.addf %get3A_113, %add3A_100 : vector<128x1024xf32>
        %swap3A = arith.constant 0 : index
        %swap3A_115 = arith.constant 0 : index
        %swap3A_116 = vector.load %arg20[%swap3A, %swap3A_115] : memref<128x1024xf32, #tpu.memory_space<vmem>>, vector<128x1024xf32>
        tpu.vector_store %arg20[%swap3A, %swap3A_115], %add3A_114 {strides = array<i32>} : memref<128x1024xf32, #tpu.memory_space<vmem>>, vector<128x1024xf32>,
      } else {
      }
    } else {
    }
    %gt3A_19 = arith.constant 0 : i32
    %gt3A_20 = arith.cmpi sgt, %get3A_4, %gt3A_19 : i32
    %eq3A_21 = arith.constant 1 : i32
    %eq3A_22 = arith.cmpi eq, %arg1, %eq3A_21 : i32
    %and3A_23 = arith.andi %gt3A_20, %eq3A_22 : i1
    %convert_element_type3A_24 = arith.extui %and3A_23 : i1 to i32
    %cond3A_25 = arith.constant 0 : i32
    %cond3A_26 = arith.cmpi ne, %convert_element_type3A_24, %cond3A_25 : i32
    scf.if %cond3A_26 {
      %get3A_27 = arith.constant 0 : index
      %get3A_28 = arith.constant 0 : index
      %get3A_29 = vector.load %arg20[%get3A_27, %get3A_28] : memref<128x1024xf32, #tpu.memory_space<vmem>>, vector<128x1024xf32>
      %get3A_30 = arith.constant 0 : index
      %get3A_31 = arith.constant 0 : index
      %get3A_32 = arith.constant 0 : index
      %get3A_33 = vector.load %arg13[%get3A_30, %get3A_31, %get3A_32] : memref<1x1x1024xf32, #tpu.memory_space<vmem>>, vector<1x1x1024xf32>
      %get3A_34 = vector.shape_cast %get3A_33 : vector<1x1x1024xf32> to vector<1x1024xf32>
      %add3A = vector.broadcast %get3A_34 : vector<1x1024xf32> to vector<128x1024xf32>
      %add3A_35 = arith.addf %get3A_29, %add3A : vector<128x1024xf32>
      %swap3A = arith.constant 0 : index
      %swap3A_36 = arith.constant 0 : index
      %swap3A_37 = vector.load %arg20[%swap3A, %swap3A_36] : memref<128x1024xf32, #tpu.memory_space<vmem>>, vector<128x1024xf32>
      tpu.vector_store %arg20[%swap3A, %swap3A_36], %add3A_35 {strides = array<i32>} : memref<128x1024xf32, #tpu.memory_space<vmem>>, vector<128x1024xf32>,
      %while3A = arith.constant 0 : i32
      %while3A_38 = arith.constant 0 : i32
      %while3A_39 = arith.subi %get3A_4, %while3A : i32
      %while3A_40 = arith.addi %while3A, %while3A_39 : i32
      %while3A_41 = arith.constant 1 : i32
      %while3A_42 = arith.divsi %while3A_39, %while3A_41 : i32
      %while3A_43 = arith.muli %while3A_42, %while3A_41 : i32
      %while3A_44 = arith.addi %while3A, %while3A_43 : i32
      %while3A_45 = arith.constant 1 : i32
      %while3A_46 = scf.for %while3A_49 = %while3A to %while3A_44 step %while3A_45 iter_args(%while3A_50 = %while3A_38) -> (i32)  : i32 {
        %add3A_51 = arith.addi %get3A_6, %while3A_49 : i32
        %get3A_52 = arith.index_cast %add3A_51 : i32 to index
        %get3A_53 = memref.load %arg5[%get3A_52] : memref<4096xi32, #tpu.memory_space<smem>>
        %get3A_54 = arith.index_cast %while3A_49 : i32 to index
        %get3A_55 = arith.constant 0 : index
        %get3A_56 = vector.load %arg20[%get3A_54, %get3A_55] : memref<128x1024xf32, #tpu.memory_space<vmem>>, vector<1x1024xf32>
        %add3A_57 = arith.addi %get3A_6, %while3A_49 : i32
        %get3A_58 = arith.index_cast %add3A_57 : i32 to index
        %get3A_59 = memref.load %arg6[%get3A_58] : memref<4096xf32, #tpu.memory_space<smem>>
        %mul3A = vector.broadcast %get3A_59 : f32 to vector<1x1024xf32>
        %mul3A_60 = arith.mulf %get3A_56, %mul3A : vector<1x1024xf32>
        %get3A_61 = arith.index_cast %get3A_53 : i32 to index
        %get3A_62 = arith.constant 0 : index
        %get3A_63 = vector.load %arg18[%get3A_61, %get3A_62] : memref<2048x1024xf32, #tpu.memory_space<vmem>>, vector<1x1024xf32>
        %add3A_64 = arith.addf %get3A_63, %mul3A_60 : vector<1x1024xf32>
        %swap3A_65 = arith.index_cast %get3A_53 : i32 to index
        %swap3A_66 = arith.constant 0 : index
        %swap3A_67 = vector.load %arg18[%swap3A_65, %swap3A_66] : memref<2048x1024xf32, #tpu.memory_space<vmem>>, vector<1x1024xf32>
        tpu.vector_store %arg18[%swap3A_65, %swap3A_66], %add3A_64 {strides = array<i32>} : memref<2048x1024xf32, #tpu.memory_space<vmem>>, vector<1x1024xf32>,
        %while3A_68 = arith.constant 0 : i32
        scf.yield %while3A_68 : i32
      }
      %while3A_47 = arith.constant 1 : i32
      %while3A_48 = scf.for %while3A_49 = %while3A_44 to %while3A_40 step %while3A_47 iter_args(%while3A_50 = %while3A_46) -> (i32)  : i32 {
        %add3A_51 = arith.addi %get3A_6, %while3A_49 : i32
        %get3A_52 = arith.index_cast %add3A_51 : i32 to index
        %get3A_53 = memref.load %arg5[%get3A_52] : memref<4096xi32, #tpu.memory_space<smem>>
        %get3A_54 = arith.index_cast %while3A_49 : i32 to index
        %get3A_55 = arith.constant 0 : index
        %get3A_56 = vector.load %arg20[%get3A_54, %get3A_55] : memref<128x1024xf32, #tpu.memory_space<vmem>>, vector<1x1024xf32>
        %add3A_57 = arith.addi %get3A_6, %while3A_49 : i32
        %get3A_58 = arith.index_cast %add3A_57 : i32 to index
        %get3A_59 = memref.load %arg6[%get3A_58] : memref<4096xf32, #tpu.memory_space<smem>>
        %mul3A = vector.broadcast %get3A_59 : f32 to vector<1x1024xf32>
        %mul3A_60 = arith.mulf %get3A_56, %mul3A : vector<1x1024xf32>
        %get3A_61 = arith.index_cast %get3A_53 : i32 to index
        %get3A_62 = arith.constant 0 : index
        %get3A_63 = vector.load %arg18[%get3A_61, %get3A_62] : memref<2048x1024xf32, #tpu.memory_space<vmem>>, vector<1x1024xf32>
        %add3A_64 = arith.addf %get3A_63, %mul3A_60 : vector<1x1024xf32>
        %swap3A_65 = arith.index_cast %get3A_53 : i32 to index
        %swap3A_66 = arith.constant 0 : index
        %swap3A_67 = vector.load %arg18[%swap3A_65, %swap3A_66] : memref<2048x1024xf32, #tpu.memory_space<vmem>>, vector<1x1024xf32>
        tpu.vector_store %arg18[%swap3A_65, %swap3A_66], %add3A_64 {strides = array<i32>} : memref<2048x1024xf32, #tpu.memory_space<vmem>>, vector<1x1024xf32>,
        %while3A_68 = arith.constant 0 : i32
        scf.yield %while3A_68 : i32
      }
    } else {
    }
    return
  }
  func.func @transform_0(%arg0: i32, %arg1: i32, %arg2: memref<96xi32, #tpu.memory_space<smem>>, %arg3: memref<96xi32, #tpu.memory_space<smem>>, %arg4: memref<96xi32, #tpu.memory_space<smem>>, %arg5: memref<4096xi32, #tpu.memory_space<smem>>, %arg6: memref<4096xf32, #tpu.memory_space<smem>>) -> (i32, i32) {
    %c0_i32 = arith.constant 0 : i32
    %c0_i32_0 = arith.constant 0 : i32
    %c0_i32_1 = arith.constant 0 : i32
    return %c0_i32, %c0_i32_0 : i32, i32
  }
  func.func @transform_1(%arg0: i32, %arg1: i32, %arg2: memref<96xi32, #tpu.memory_space<smem>>, %arg3: memref<96xi32, #tpu.memory_space<smem>>, %arg4: memref<96xi32, #tpu.memory_space<smem>>, %arg5: memref<4096xi32, #tpu.memory_space<smem>>, %arg6: memref<4096xf32, #tpu.memory_space<smem>>) -> (i32, i32, i32) {
    %get3A = arith.index_cast %arg0 : i32 to index
    %get3A_0 = memref.load %arg2[%get3A] : memref<96xi32, #tpu.memory_space<smem>>
    %c0_i32 = arith.constant 0 : i32
    %c0_i32_1 = arith.constant 0 : i32
    return %get3A_0, %arg1, %c0_i32 : i32, i32, i32
  }
  func.func @transform_2(%arg0: i32, %arg1: i32, %arg2: memref<96xi32, #tpu.memory_space<smem>>, %arg3: memref<96xi32, #tpu.memory_space<smem>>, %arg4: memref<96xi32, #tpu.memory_space<smem>>, %arg5: memref<4096xi32, #tpu.memory_space<smem>>, %arg6: memref<4096xf32, #tpu.memory_space<smem>>) -> (i32, i32, i32) {
    %get3A = arith.index_cast %arg0 : i32 to index
    %get3A_0 = memref.load %arg2[%get3A] : memref<96xi32, #tpu.memory_space<smem>>
    %c0_i32 = arith.constant 0 : i32
    %c0_i32_1 = arith.constant 0 : i32
    return %get3A_0, %arg1, %c0_i32 : i32, i32, i32
  }
  func.func @transform_3(%arg0: i32, %arg1: i32, %arg2: memref<96xi32, #tpu.memory_space<smem>>, %arg3: memref<96xi32, #tpu.memory_space<smem>>, %arg4: memref<96xi32, #tpu.memory_space<smem>>, %arg5: memref<4096xi32, #tpu.memory_space<smem>>, %arg6: memref<4096xf32, #tpu.memory_space<smem>>) -> (i32, i32, i32) {
    %get3A = arith.index_cast %arg0 : i32 to index
    %get3A_0 = memref.load %arg2[%get3A] : memref<96xi32, #tpu.memory_space<smem>>
    %c0_i32 = arith.constant 0 : i32
    %c0_i32_1 = arith.constant 0 : i32
    return %get3A_0, %c0_i32, %arg1 : i32, i32, i32
  }
  func.func @transform_4(%arg0: i32, %arg1: i32, %arg2: memref<96xi32, #tpu.memory_space<smem>>, %arg3: memref<96xi32, #tpu.memory_space<smem>>, %arg4: memref<96xi32, #tpu.memory_space<smem>>, %arg5: memref<4096xi32, #tpu.memory_space<smem>>, %arg6: memref<4096xf32, #tpu.memory_space<smem>>) -> (i32, i32, i32, i32) {
    %get3A = arith.index_cast %arg0 : i32 to index
    %get3A_0 = memref.load %arg2[%get3A] : memref<96xi32, #tpu.memory_space<smem>>
    %c0_i32 = arith.constant 0 : i32
    %c0_i32_1 = arith.constant 0 : i32
    %c0_i32_2 = arith.constant 0 : i32
    return %get3A_0, %arg1, %c0_i32, %c0_i32_1 : i32, i32, i32, i32
  }
  func.func @transform_5(%arg0: i32, %arg1: i32, %arg2: memref<96xi32, #tpu.memory_space<smem>>, %arg3: memref<96xi32, #tpu.memory_space<smem>>, %arg4: memref<96xi32, #tpu.memory_space<smem>>, %arg5: memref<4096xi32, #tpu.memory_space<smem>>, %arg6: memref<4096xf32, #tpu.memory_space<smem>>) -> (i32, i32, i32) {
    %get3A = arith.index_cast %arg0 : i32 to index
    %get3A_0 = memref.load %arg2[%get3A] : memref<96xi32, #tpu.memory_space<smem>>
    %c0_i32 = arith.constant 0 : i32
    %c0_i32_1 = arith.constant 0 : i32
    return %get3A_0, %c0_i32, %arg1 : i32, i32, i32
  }
  func.func @transform_6(%arg0: i32, %arg1: i32, %arg2: memref<96xi32, #tpu.memory_space<smem>>, %arg3: memref<96xi32, #tpu.memory_space<smem>>, %arg4: memref<96xi32, #tpu.memory_space<smem>>, %arg5: memref<4096xi32, #tpu.memory_space<smem>>, %arg6: memref<4096xf32, #tpu.memory_space<smem>>) -> (i32, i32, i32) {
    %get3A = arith.index_cast %arg0 : i32 to index
    %get3A_0 = memref.load %arg2[%get3A] : memref<96xi32, #tpu.memory_space<smem>>
    %c0_i32 = arith.constant 0 : i32
    %c0_i32_1 = arith.constant 0 : i32
    %c0_i32_2 = arith.constant 0 : i32
    return %get3A_0, %c0_i32, %c0_i32_1 : i32, i32, i32
  }
  func.func @transform_7(%arg0: i32, %arg1: i32, %arg2: memref<96xi32, #tpu.memory_space<smem>>, %arg3: memref<96xi32, #tpu.memory_space<smem>>, %arg4: memref<96xi32, #tpu.memory_space<smem>>, %arg5: memref<4096xi32, #tpu.memory_space<smem>>, %arg6: memref<4096xf32, #tpu.memory_space<smem>>) -> (i32, i32) {
    %c0_i32 = arith.constant 0 : i32
    %c0_i32_0 = arith.constant 0 : i32
    %c0_i32_1 = arith.constant 0 : i32
    return %c0_i32, %c0_i32_0 : i32, i32
  }
  func.func @transform_8(%arg0: i32, %arg1: i32, %arg2: memref<96xi32, #tpu.memory_space<smem>>, %arg3: memref<96xi32, #tpu.memory_space<smem>>, %arg4: memref<96xi32, #tpu.memory_space<smem>>, %arg5: memref<4096xi32, #tpu.memory_space<smem>>, %arg6: memref<4096xf32, #tpu.memory_space<smem>>) -> (i32, i32) {
    %c0_i32 = arith.constant 0 : i32
    %c0_i32_0 = arith.constant 0 : i32
    %c0_i32_1 = arith.constant 0 : i32
    return %c0_i32, %c0_i32_0 : i32, i32
  }
  func.func @transform_9(%arg0: i32, %arg1: i32, %arg2: memref<96xi32, #tpu.memory_space<smem>>, %arg3: memref<96xi32, #tpu.memory_space<smem>>, %arg4: memref<96xi32, #tpu.memory_space<smem>>, %arg5: memref<4096xi32, #tpu.memory_space<smem>>, %arg6: memref<4096xf32, #tpu.memory_space<smem>>) -> (i32, i32) {
    %c0_i32 = arith.constant 0 : i32
    %c0_i32_0 = arith.constant 0 : i32
    %c0_i32_1 = arith.constant 0 : i32
    return %c0_i32, %c0_i32_0 : i32, i32
  }
  func.func @transform_10(%arg0: i32, %arg1: i32, %arg2: memref<96xi32, #tpu.memory_space<smem>>, %arg3: memref<96xi32, #tpu.memory_space<smem>>, %arg4: memref<96xi32, #tpu.memory_space<smem>>, %arg5: memref<4096xi32, #tpu.memory_space<smem>>, %arg6: memref<4096xf32, #tpu.memory_space<smem>>) -> (i32, i32) {
    %c0_i32 = arith.constant 0 : i32
    %c0_i32_0 = arith.constant 0 : i32
    %c0_i32_1 = arith.constant 0 : i32
    return %c0_i32, %c0_i32_0 : i32, i32
  }
  func.func @transform_11(%arg0: i32, %arg1: i32, %arg2: memref<96xi32, #tpu.memory_space<smem>>, %arg3: memref<96xi32, #tpu.memory_space<smem>>, %arg4: memref<96xi32, #tpu.memory_space<smem>>, %arg5: memref<4096xi32, #tpu.memory_space<smem>>, %arg6: memref<4096xf32, #tpu.memory_space<smem>>) -> (i32, i32) {
    %c0_i32 = arith.constant 0 : i32
    %c0_i32_0 = arith.constant 0 : i32
    %c0_i32_1 = arith.constant 0 : i32
    return %c0_i32, %c0_i32_0 : i32, i32
  }
}

</mosaic_0001>

<sc_bundles>
// kernel: gather_offload_async_start
scs
__scs_entry_jumppad:
0x0: {  	(pc) =	sbr.rel $0x88, $3  }
0x1: {  	(tag) =	ssettag $0x0;
	lr =	simm.s32 $0x1  }
0x2: {  	[smem:$0x3F98] =	sst lr;
	_ =	strace $0xD0000000  }
0x3: {  	_ = 	snop  }
0x4: {  	_ = 	snop  }
0x5: {  	_ = 	snop  }
0x6: {  	_ = 	snop  }
0x7: {  	_ = 	snop  }
__scs_overlays_trampoline_lowered:
0x8: {  	[smem:$0x3FA7] =	sst s0  }
0x9: {  	[smem:$0x3FA8] =	sst s1  }
0xa: {  	[smem:$0x3FA9] =	sst s2  }
0xb: {  	[smem:$0x3FAA] =	sst s3  }
0xc: {  	[smem:$0x3FAB] =	sst s4  }
0xd: {  	[smem:$0x3FAC] =	sst s5  }
0xe: {  	[smem:$0x3FAD] =	sst s6  }
0xf: {  	[smem:$0x3FAE] =	sst s7  }
0x10: {  	[smem:$0x3FAF] =	sst s8  }
0x11: {  	[smem:$0x3FB0] =	sst s9;
	s0 =	simm.s32 @!p0 $0x0  }
0x12: {  	s1 =	sld [smem:$0x3F96];
	s0 =	simm.s32 @p0 $0x1  }
0x13: {  	[smem:$0x3FB1] =	sst s0;
	s0 =	simm.s32 @!p1 $0x0  }
0x14: {  	s2 =	sld [smem:$0x3F95];
	s0 =	simm.s32 @p1 $0x1  }
0x15: {  	[smem:$0x3FB2] =	sst s0;
	s0 =	simm.s32 @!p2 $0x0  }
0x16: {  	s3 =	sld [smem:$0x3FDB];
	s0 =	simm.s32 @p2 $0x1  }
0x17: {  	s4 =	simm.s32 $0x1BF5;
	[smem:$0x3FB4] =	sst s0  }
0x18: {  	s0 =	sld [smem:$0x3F97];
	_ =	swait.ge [sflag:s4], $0x0  }
0x19: {  	s7 =	sld [smem:$0x3F98]  }
0x1a: {  	s8 =	sadd.s32 $0xFFFFE003, lr  }
0x1b: {  	s9 =	sadd.s32 $0xFFFFFEF7, lr;
	s5 =	simm.s32 $0xFFFFFFFF;
	p2 =	slt.u32 s8, $0xFFFFF086  }
0x1c: {  	p1 =	slt.u32 s9, $0xF7A;
	s5 =	simm.s32 @!p2 $0x0  }
0x1d: {  	s5 =	simm.s32 @p1 $0x1;
	p0 =	seq.s32 s7, s2  }
0x1e: {  	s7 =	smul.u32 @!p0 $0xF7A, s2;
	p2 =	seq.s32 @!p0 s5, $0x0  }
0x1f: {  	s9 =	smul.u32 $0xF7A, s1;
	s8 =	simm.s32 @!p0 $0x1BF5;
	p2 =	por !p2, p0  }
0x20: {  	[sflag:s8] =	ssyncset.s32 @!p0 $0xFFFFF086;
	s6 =	sadd.s32 @!p0 s3, s7;
	s7 =	simm.s32 @!p0 $0x108  }
0x21: {  	s3 =	sadd.s32 s3, s9;
	s6 =	sadd.s32 @!p0 $0x88, s6;
	s7 =	simm.s32 @p2 $0x1082  }
0x22: {  	[simem:s7], [sflag:s8] =	dma.local @!p0 [hbm:s6], $0xF7A  }
0x23: {  	s9 =	sor.u32 $0xD0000000, s2;
	s6 =	simm.s32 $0x108;
	_ =	swait.ge @!p0 [sflag:s8], $0x0  }
0x24: {  	s3 =	sadd.s32 $0x88, s3;
	s6 =	simm.s32 @!p1 $0x1082;
	[sflag:s4] =	ssyncset.s32 $0xFFFFF086  }
0x25: {  	[simem:s6], [sflag:s4] =	dma.local [hbm:s3], $0xF7A  }
0x26: {  	[smem:$0x3F98] =	sst s1;
	(tag) =	ssettag s2;
	_ =	strace s9  }
0x27: {  	s1 =	sld [smem:$0x3FA8]  }
0x28: {  	s2 =	sld [smem:$0x3FA9]  }
0x29: {  	s4 =	sld [smem:$0x3FAB]  }
0x2a: {  	p0 =	seq.s32 s5, $0x0;
	s5 =	sld [smem:$0x3FAC]  }
0x2b: {  	s6 =	sld [smem:$0x3FAD]  }
0x2c: {  	s7 =	sld [smem:$0x3FAE]  }
0x2d: {  	s3 =	simm.s32 $0x108;
	s8 =	sld [smem:$0x3FAF]  }
0x2e: {  	s3 =	simm.s32 @!p0 $0x1082;
	s9 =	sld [smem:$0x3FB0]  }
0x2f: {  	lr =	sadd.s32 s0, s3;
	s0 =	sld [smem:$0x3FA7]  }
0x30: {  	s3 =	sld [smem:$0x3FAA]  }
0x31: {  	[smem:$0x3FB3] =	sst s10  }
0x32: {  	s10 =	sld [smem:$0x3FB1];
	_ =	sdelay $0x3  }
0x33: {  	p0 =	seq.s32 s10, $0x1;
	s10 =	sld [smem:$0x3FB3];
	_ =	sdelay $0x3  }
0x34: {  	[smem:$0x3FB3] =	sst s10  }
0x35: {  	s10 =	sld [smem:$0x3FB2];
	_ =	sdelay $0x3  }
0x36: {  	p1 =	seq.s32 s10, $0x1;
	s10 =	sld [smem:$0x3FB3];
	_ =	sdelay $0x3  }
0x37: {  	[smem:$0x3FB3] =	sst s10  }
0x38: {  	s10 =	sld [smem:$0x3FB4]  }
0x39: {  	_ = 	snop;
	(pc) =	sbr.ind lr, $3  }
0x3a: {  	_ = 	snop  }
0x3b: {  	_ = 	snop  }
0x3c: {  	p2 =	seq.s32 s10, $0x1;
	s10 =	sld [smem:$0x3FB3]  }
0x3d: {  	_ =	shalt  }
0x3e: {  	_ =	shalt  }
0x3f: {  	_ =	shalt  }
0x40: {  	_ =	shalt  }
0x41: {  	_ =	shalt  }
0x42: {  	_ =	shalt  }
0x43: {  	_ =	shalt  }
0x44: {  	_ =	shalt  }
0x45: {  	_ =	shalt  }
0x46: {  	_ =	shalt  }
0x47: {  	_ =	shalt  }
0x48: {  	_ =	shalt  }
0x49: {  	_ =	shalt  }
0x4a: {  	_ =	shalt  }
0x4b: {  	_ =	shalt  }
0x4c: {  	_ =	shalt  }
0x4d: {  	_ =	shalt  }
0x4e: {  	_ =	shalt  }
0x4f: {  	_ =	shalt  }
0x50: {  	_ =	shalt  }
0x51: {  	_ =	shalt  }
0x52: {  	_ =	shalt  }
0x53: {  	_ =	shalt  }
0x54: {  	_ =	shalt  }
0x55: {  	_ =	shalt  }
0x56: {  	_ =	shalt  }
0x57: {  	_ =	shalt  }
0x58: {  	_ =	shalt  }
0x59: {  	_ =	shalt  }
0x5a: {  	_ =	shalt  }
0x5b: {  	_ =	shalt  }
0x5c: {  	_ =	shalt  }
0x5d: {  	_ =	shalt  }
0x5e: {  	_ =	shalt  }
0x5f: {  	_ =	shalt  }
0x60: {  	_ =	shalt  }
0x61: {  	_ =	shalt  }
0x62: {  	_ =	shalt  }
0x63: {  	_ =	shalt  }
0x64: {  	_ =	shalt  }
0x65: {  	_ =	shalt  }
0x66: {  	_ =	shalt  }
0x67: {  	_ =	shalt  }
0x68: {  	_ =	shalt  }
0x69: {  	_ =	shalt  }
0x6a: {  	_ =	shalt  }
0x6b: {  	_ =	shalt  }
0x6c: {  	_ =	shalt  }
0x6d: {  	_ =	shalt  }
0x6e: {  	_ =	shalt  }
0x6f: {  	_ =	shalt  }
0x70: {  	_ =	shalt  }
0x71: {  	_ =	shalt  }
0x72: {  	_ =	shalt  }
0x73: {  	_ =	shalt  }
0x74: {  	_ =	shalt  }
0x75: {  	_ =	shalt  }
0x76: {  	_ =	shalt  }
0x77: {  	_ =	shalt  }
0x78: {  	_ =	shalt  }
0x79: {  	_ =	shalt  }
0x7a: {  	_ =	shalt  }
0x7b: {  	_ =	shalt  }
0x7c: {  	_ =	shalt  }
0x7d: {  	_ =	shalt  }
0x7e: {  	_ =	shalt  }
0x7f: {  	_ =	shalt  }
0x80: {  	_ =	shalt  }
0x81: {  	_ =	shalt  }
0x82: {  	_ =	shalt  }
0x83: {  	_ =	shalt  }
0x84: {  	_ =	shalt  }
0x85: {  	_ =	shalt  }
0x86: {  	_ =	shalt  }
0x87: {  	_ =	shalt  }
.Lfunc_end0:
.L_simem_size_0:
called_computation.1_lowered:
.L_overlay_start_0:
0x88: {  	s2 =	sld [smem:$0x3FD9]  }
0x89: {  	s3 =	sld [smem:$0x3FFE];
	_ =	sdelay $0x1  }
0x8a: {  	s1 =	srdreg.scid  }
0x8b: {  	s0 =	sand.u32 $0x1, s1  }
0x8c: {  	s17 =	sshll.u32 s0, $0xA;
	s2 =	sadd.s32 s3, s2  }
0x8d: {  	s2 =	sadd.s32 s2, s17  }
0x8e: {  	[smem:$0x3FBF] =	sst s2  }
0x8f: {  	_ = 	snop  }
0x90: {  	s2 =	sld [smem:$0x3FD0];
	(tm) =	ssettm $0x1  }
0x91: {  	s18 =	sld [smem:$0x3FFB];
	_ =	sdelay $0x3  }
0x92: {  	_ =	strace s18  }
0x93: {  	s3 =	sld [smem:$0x3FFC];
	_ =	sdelay $0x3  }
0x94: {  	_ =	strace s3  }
0x95: {  	s3 =	sld [smem:$0x3FFD];
	_ =	sdelay $0x3  }
0x96: {  	_ =	strace s3  }
0x97: {  	_ =	strace $0x8FFFFFFF  }
0x98: {  	s19 =	sld [smem:$0x3FDB];
	_ =	sdelay $0x1  }
0x99: {  	s4 =	simm.s32 $_scs_section_size  }
0x9a: {  	s5 =	simm.s32 $_size__tile_overlayer_lowered;
	s6 =	simm.s32 $_tile_overlayer_lowered  }
0x9b: {  	s22 =	simm.s32 $0x1BFF;
	s21 =	sshll.u32 s6, $0x1;
	s3 =	sadd.s32 s4, s19  }
0x9c: {  	s7 =	simm.s32 $0x0;
	s20 =	sshll.u32 s5, $0x1;
	s5 =	sadd.s32 s21, s3  }
0x9d: {  	[timem:s7], [sflag:s22] =	dma.local [hbm:s5], s20  }
0x9e: {  	_ =	swait.ge [sflag:s22], s20  }
0x9f: {  	s4 =	ssub.s32 $0x0, s20;
	[sflag:s22] =	ssyncset.done $0x0  }
0xa0: {  	[sflag:s22] =	ssyncadd.s32 s4;
	_ =	sdelay $0x1  }
0xa1: {  	s23 =	simm.s32 $0x1B8B  }
0xa2: {  	_ =	swait.ge [sflag:s23], $0x1  }
0xa3: {  	[sflag:s23] =	ssyncset.done $0x0  }
0xa4: {  	s25 =	simm.s32 $0x1B8E;
	s24 =	sld [smem:$0x3FFE];
	[sflag:s23] =	ssyncadd.s32 $0xFFFFFFFF  }
0xa5: {  	s26 =	simm.s32 $execute0_lowered;
	[smem:$0x3FD2] =	sst s25  }
0xa6: {  	s5 =	sshll.u32 s26, $0x1;
	_ =	strace $0x80000049;
	[dreg:$0x1] =	wrdreg $0xFFFFFFFF  }
0xa7: {  	s28 =	simm.s32 $_size_execute0_lowered;
	s3 =	sadd.s32 s3, s5;
	[dreg:$0x0] =	wrdreg $0x0  }
0xa8: {  	s5 =	sshll.u32 s28, $0x1;
	[dreg:$0x2] =	wrdreg s3  }
0xa9: {  	[dreg:$0x3] =	wrdreg s5  }
0xaa: {  	[dreg:$0x4] =	wrdreg $0xC0  }
0xab: {  	_ =	task [dreg:s7], $0x5FFFF  }
0xac: {  	[dreg:$0x1] =	wrdreg $0xFFFFFFFF  }
0xad: {  	[dreg:$0x0] =	wrdreg $0x60  }
0xae: {  	[dreg:$0x2] =	wrdreg s24  }
0xaf: {  	[dreg:$0x3] =	wrdreg s2  }
0xb0: {  	[dreg:$0x4] =	wrdreg $0x9  }
0xb1: {  	_ =	task.clear_ibuf [dreg:s7], $0x5FFFF;
	_ =	strace $0x90000049  }
0xb2: {  	s29 =	simm.s32 $0x9;
	_ =	strace $0x8000004B  }
0xb3: {  	_ =	swait.ge [sflag:s29], $0x1  }
0xb4: {  	[sflag:s29] =	ssyncadd.s32 $0xFFFFFFFF  }
0xb5: {  	_ =	strace $0x9000004B  }
0xb6: {  	_ =	sfence  }
0xb7: {  	s30 =	sld [smem:$0x0];
	_ =	sdelay $0x2  }
0xb8: {  	s31 =	sshll.u32 s1, $0xD;
	s1 =	sshrl.u32 s1, $0x2  }
0xb9: {  	s3 =	sand.u32 $0x4000, s31;
	s1 =	sadd.s32 s1, s30  }
0xba: {  	s0 =	sor.u32 s3, s0;
	s1 =	sshll.u32 s1, $0x11  }
0xbb: {  	s0 =	sor.u32 s1, s0  }
0xbc: {  	s0 =	sadd.s32 $0x8F2B, s0  }
0xbd: {  	[sflag:s0] =	ssyncadd.remote.s32 $0x1  }
0xbe: {  	_ =	sfence.sel $0xFFFF  }
0xbf: {  	[dreg:$0x0] =	wrdreg $0xFFFFFFFF;
	(pc) =	sbr.abs _section_cstart, $3  }
0xc0: {  	[dreg:$0x1] =	wrdreg $0xFFFFFFFF  }
0xc1: {  	_ =	task.clear_ibuf [dreg:s7], $0x2FFFF;
	_ =	strace $0x9FFFFFFF  }
0xc2: {  	(tm) =	ssettm $0x7FFFFFFF  }
0xc3: {  	_ =	shalt  }
tec
execute0_lowered:
.L_overlay_start_1:
0x0: {  	(tag) =	ssettag $0x1  }
0x1: {  	s1 =	srdreg.scid;
	s5 =	rddreg [dreg:$0x0]  }
0x2: {  	s0 =	stileid.u32;
	s2 =	rddreg [dreg:$0x1];
	s6 =	simm.s32 $0x1  }
0x3: {  	s9 =	simm.s32 $0x1;
	s10 =	simm.s32 $0x3;
	s1 =	sshll.u32 s1, $0x6  }
0x4: {  	s13 =	simm.s32 $0x0;
	s3 =	sshll.u32 s0, $0x7;
	s4 =	sand.u32 $0x40, s1  }
0x5: {  	s12 =	simm.s32 $0x0;
	s1 =	rddreg [dreg:$0x2];
	s3 =	sor.u32 s3, s4  }
0x6: {  	_ =	strace $0x8000004A;
	s4 =	sadd.s32 $0x400, s5;
	s8 =	ssub.s32 $0x1000, s3  }
.Ltmp0:
0x7: {  	s5 =	sadd.s32 $0x200, s5;
	s7 =	sand.u32 $0x7C0, s8;
	(pc) =	sbr.rel .LBB2_1-.Ltmp0, $4  }
0x8: {  	[sflag:s6] =	ssyncpa.u1 $0x0;
	s11 =	smov.u32 s3;
	p0 =	sne.s32 s7, $0x0  }
0x9: {  	s8 =	sshrl.u32 s8, $0xB;
	s7 =	simm.s32 $0x2;
	s9 =	simm.s32 @!p0 $0x0  }
0xa: {  	[sflag:s7] =	ssyncpa.u1 $0x0;
	p0 =	por $0x0, $0x0;
	s8 =	sadd.s32 s9, s8  }
0xb: {  	vm0 =	vmmov $0xffff;
	[sflag:s10] =	ssyncpa.u1 $0x0;
	s10 =	simm.s32 $0x0;
	s9 =	sadd.s32 $0x1, s8  }
.LBB2_4:
0xc: {  	v2 =	vnsel vm1, $0x0, v2  }
0xd: {  	vm1 =	vgt.s32 v0, $0x0;
	v2 =	vmin.u32 v2, $0xFFF  }
0xe: {  	v0 =	vnsel vm1, $0x0, v0  }
0xf: {  	v0 =	vmin.u32 v0, $0xFFF  }
0x10: {  	[tilespmem:s15], [sflag:$0x1] =	stream.indirect_vreg.gather [hbm4b:s4+s10], $0x1, v1, vm0, $0x4038;
	[tilespmem:$0x100] =	vst v63  }
0x11: {  	(ifvalue) =	ssetifvalue $0x7FFFFFFF  }
0x12: {  	[tilespmem:s16], [sflag:$0x1] =	stream.indirect_vreg.gather [hbm4b:s4+s10], $0x1, v2, vm0, $0x4038;
	[tilespmem:$0x100] =	vst v63  }
0x13: {  	s29 =	sadd.s32 $0x10, s16;
	(ifvalue) =	ssetifvalue $0x7FFFFFFF  }
0x14: {  	[tilespmem:s29], [sflag:$0x1] =	stream.indirect_vreg.gather [hbm4b:s4+s10], $0x1, v0, vm0, $0x4038;
	[tilespmem:$0x100] =	vst v63  }
0x15: {  	_ =	swait.ge [sflag:s6], $0x40  }
0x16: {  	s30 =	sshrl.u32 s13, $0x3;
	[sflag:s6] =	ssyncset.done $0x0  }
0x17: {  	s31 =	sand.u32 $0x7, s13;
	s15 =	sadd.s32 s2, s30;
	[sflag:s6] =	ssyncadd.s32 $0xFFFFFFC0  }
0x18: {  	[hbm4b:s15+s31] =	stream.linear.scatter [tilespmem:s14], [sflag:$0x3], $0x40, $0x38;
	[tilespmem:$0x100] =	vst v63  }
.LBB2_5:
0x19: {  	s15 =	sadd.s32 $0x800, s11  }
0x1a: {  	p2 =	sgt.s32 s15, $0xFFF  }
0x1b: {  	s15 =	smov.u32 @p2 s3;
	p2 =	sne.s32 s12, s9  }
.Ltmp1:
0x1c: {  	p1 =	slt.u32 s12, $0x2;
	(pc) =	sbr.rel @!p2 .LBB2_6-.Ltmp1, $4  }
0x1d: {  	s14 =	simm.s32 @!p1 $0x3  }
0x1e: {  	s16 =	sadd.s32 $0x1, s12;
	_ =	swait.ge @!p1 [sflag:s14], $0x40  }
0x1f: {  	s13 =	smov.u32 s11;
	p0 =	por !p0, !p0;
	[sflag:s14] =	ssyncset.done @!p1 $0x0  }
0x20: {  	s12 =	smov.u32 s16;
	s11 =	smov.u32 s15;
	[sflag:s14] =	ssyncadd.s32 @!p1 $0xFFFFFFC0  }
.LBB2_1:
0x21: {  	p1 =	sge.u32 s12, s8  }
0x22: {  	s14 =	sxor.u32 @!p1 $0xFFFFFFFF, s12  }
0x23: {  	s31 =	sadd.s32 $0xFFFFFFFF, s12;
	s15 =	sshrl.u32 @!p1 s11, $0x3;
	s14 =	sshll.u32 @!p1 s14, $0x6  }
0x24: {  	s16 =	sand.u32 @!p1 $0x7, s11;
	s15 =	sadd.s32 @!p1 s5, s15;
	s14 =	sand.u32 @!p1 $0x40, s14  }
0x25: {  	[tilespmem:s14], [sflag:$0x2] =	stream.linear.gather @!p1 [hbm4b:s15+s16], $0x40, $0x38;
	[tilespmem:$0x100] =	vst v63  }
0x26: {  	p1 =	sge.u32 s31, s8  }
.Ltmp2:
0x27: {  	_ = 	snop;
	(pc) =	sbr.rel @p1 .LBB2_5-.Ltmp2, $1  }
0x28: {  	_ =	sdelay $0x3  }
0x29: {  	s14 =	simm.s32 $0x1  }
0x2a: {  	_ =	swait.ge [sflag:s7], $0x40;
	s14 =	simm.s32 @!p0 $0x0  }
0x2b: {  	[sflag:s7] =	ssyncset.done $0x0;
	s14 =	sshll.u32 s14, $0x6  }
0x2c: {  	[sflag:s7] =	ssyncadd.s32 $0xFFFFFFC0;
	(ifvalue) =	ssetifvalue $0x7FFFFFFF;
	v0 =	vld.msk [tilespmem:s14+$0x0 ss:$0x1], $0xffff;
	_ =	sdelay $0x4  }
0x2d: {  	s15 =	sadd.s32 $0x10, s14;
	vm1 =	vgt.s32 v0, $0x0  }
0x2e: {  	v2 =	vld.msk [tilespmem:s15+$0x0 ss:$0x1], $0xffff;
	v1 =	vnsel vm1, $0x0, v0  }
0x2f: {  	v1 =	vmin.u32 v1, $0xFFF;
	_ =	sdelay $0x1  }
0x30: {  	s16 =	sshll.u32 s12, $0x6;
	s18 =	simm.s32 $0x20  }
0x31: {  	s16 =	sand.u32 $0x40, s16;
	s17 =	sadd.s32 $0x10, s15;
	s15 =	sor.u32 $0x80, s14  }
0x32: {  	s14 =	sor.u32 $0x80, s16;
	s16 =	sadd.s32 $0x10, s15;
	v0 =	vld.msk [tilespmem:s17+$0x0 ss:$0x1], $0xffff;
	vm1 =	vgt.s32 v2, $0x0;
	(ifvalue) =	ssetifvalue $0x7FFFFFFF  }
.LBB2_3:
0x33: {  	[tilespmem:s15], [sflag:$0x1] =	stream.indirect_vreg.gather [hbm4b:s4+s10], $0x1, v1, vm0, $0x4038;
	[tilespmem:$0x100] =	vst v63  }
0x34: {  	s18 =	sadd.s32 $0x10, s18  }
0x35: {  	v2 =	vnsel vm1, $0x0, v2;
	p1 =	slt.u32 s18, $0x30  }
.Ltmp3:
0x36: {  	s15 =	smov.u32 s16;
	v1 =	vmin.u32 v2, $0xFFF;
	(pc) =	sbr.rel @p1 .LBB2_3-.Ltmp3, $3  }
0x37: {  	_ =	sdelay $0x1  }
0x38: {  	s17 =	sadd.s32 $0x10, s17  }
0x39: {  	vm1 =	vgt.s32 v0, $0x0;
	s16 =	sadd.s32 $0x10, s16;
	v2 =	vmov v0;
	(ifvalue) =	ssetifvalue $0x7FFFFFFF;
	v0 =	vld.msk [tilespmem:s17+$0x0 ss:$0x1], $0xffff  }
.Ltmp4:
0x3a: {  	_ = 	snop;
	(pc) =	sbr.rel .LBB2_4-.Ltmp4, $1  }
0x3b: {  	_ =	sdelay $0x3  }
.LBB2_6:
0x3c: {  	_ =	sfence.sel $0x180000  }
0x3d: {  	s2 =	simm.s32 $0x2;
	[bflag:$0x0] =	sbarrier.arrive $0xFFFF  }
0x3e: {  	s30 =	simm.s32 $0x3;
	[sflag:s2] =	ssyncpa.u1 $0x1  }
0x3f: {  	s31 =	simm.s32 $0x1;
	[sflag:s30] =	ssyncpa.u1 $0x1  }
0x40: {  	[sflag:s31] =	ssyncpa.u1 $0x1  }
0x41: {  	p0 =	sne.s32 s0, $0x0;
	_ =	strace $0x9000004A  }
0x42: {  	s0 =	sadd.s32 @!p0 $0x100000, s1;
	[bflag:$0x2] =	sbarrier.arrive $0xFFFF  }
0x43: {  	[sflag:s0] =	ssyncadd.tile.s32 @!p0 $0x1;
	_ =	shalt  }
.Lfunc_end2:
_tile_overlayer_lowered:
.L_overlay_start_2:
0x44: {  	(tag) =	ssettag $0x2  }
0x45: {  	s0 =	rddreg [dreg:$0x0];
	s2 =	stileid.u32  }
0x46: {  	s1 =	rddreg [dreg:$0x1];
	p0 =	sne.s32 s2, $0x0  }
0x47: {  	s3 =	rddreg [dreg:$0x2];
	[bflag:$0x3] =	sbarrier.arrive $0xFFFF;
	s2 =	simm.s32 @!p0 $0x1C01  }
0x48: {  	[timem:s3], [sflag:s2] =	dma.local @!p0 [hbm:s0], s1  }
0x49: {  	s0 =	simm.s32 @!p0 $0x1  }
0x4a: {  	_ =	swait.ge @!p0 [sflag:s0], s1  }
0x4b: {  	s1 =	ssub.s32 @!p0 $0x0, s1;
	[sflag:s0] =	ssyncset.done @!p0 $0x0  }
0x4c: {  	[sflag:s0] =	ssyncadd.s32 @!p0 s1  }
0x4d: {  	[bflag:$0x3] =	sbarrier.arrive $0xFFFF  }
0x4e: {  	_ =	shalt  }

// kernel: scatter_offload_async_start
scs
__scs_entry_jumppad:
0x0: {  	(pc) =	sbr.rel $0x88, $3  }
0x1: {  	(tag) =	ssettag $0x0;
	lr =	simm.s32 $0x1  }
0x2: {  	[smem:$0x3F98] =	sst lr;
	_ =	strace $0xD0000000  }
0x3: {  	_ = 	snop  }
0x4: {  	_ = 	snop  }
0x5: {  	_ = 	snop  }
0x6: {  	_ = 	snop  }
0x7: {  	_ = 	snop  }
__scs_overlays_trampoline_lowered:
0x8: {  	[smem:$0x3FA7] =	sst s0  }
0x9: {  	[smem:$0x3FA8] =	sst s1  }
0xa: {  	[smem:$0x3FA9] =	sst s2  }
0xb: {  	[smem:$0x3FAA] =	sst s3  }
0xc: {  	[smem:$0x3FAB] =	sst s4  }
0xd: {  	[smem:$0x3FAC] =	sst s5  }
0xe: {  	[smem:$0x3FAD] =	sst s6  }
0xf: {  	[smem:$0x3FAE] =	sst s7  }
0x10: {  	[smem:$0x3FAF] =	sst s8  }
0x11: {  	[smem:$0x3FB0] =	sst s9;
	s0 =	simm.s32 @!p0 $0x0  }
0x12: {  	s1 =	sld [smem:$0x3F96];
	s0 =	simm.s32 @p0 $0x1  }
0x13: {  	[smem:$0x3FB1] =	sst s0;
	s0 =	simm.s32 @!p1 $0x0  }
0x14: {  	s2 =	sld [smem:$0x3F95];
	s0 =	simm.s32 @p1 $0x1  }
0x15: {  	[smem:$0x3FB2] =	sst s0;
	s0 =	simm.s32 @!p2 $0x0  }
0x16: {  	s3 =	sld [smem:$0x3FDB];
	s0 =	simm.s32 @p2 $0x1  }
0x17: {  	s4 =	simm.s32 $0x1BF5;
	[smem:$0x3FB4] =	sst s0  }
0x18: {  	s0 =	sld [smem:$0x3F97];
	_ =	swait.ge [sflag:s4], $0x0  }
0x19: {  	s7 =	sld [smem:$0x3F98]  }
0x1a: {  	s8 =	sadd.s32 $0xFFFFE003, lr  }
0x1b: {  	s9 =	sadd.s32 $0xFFFFFEF7, lr;
	s5 =	simm.s32 $0xFFFFFFFF;
	p2 =	slt.u32 s8, $0xFFFFF086  }
0x1c: {  	p1 =	slt.u32 s9, $0xF7A;
	s5 =	simm.s32 @!p2 $0x0  }
0x1d: {  	s5 =	simm.s32 @p1 $0x1;
	p0 =	seq.s32 s7, s2  }
0x1e: {  	s7 =	smul.u32 @!p0 $0xF7A, s2;
	p2 =	seq.s32 @!p0 s5, $0x0  }
0x1f: {  	s9 =	smul.u32 $0xF7A, s1;
	s8 =	simm.s32 @!p0 $0x1BF5;
	p2 =	por !p2, p0  }
0x20: {  	[sflag:s8] =	ssyncset.s32 @!p0 $0xFFFFF086;
	s6 =	sadd.s32 @!p0 s3, s7;
	s7 =	simm.s32 @!p0 $0x108  }
0x21: {  	s3 =	sadd.s32 s3, s9;
	s6 =	sadd.s32 @!p0 $0x88, s6;
	s7 =	simm.s32 @p2 $0x1082  }
0x22: {  	[simem:s7], [sflag:s8] =	dma.local @!p0 [hbm:s6], $0xF7A  }
0x23: {  	s9 =	sor.u32 $0xD0000000, s2;
	s6 =	simm.s32 $0x108;
	_ =	swait.ge @!p0 [sflag:s8], $0x0  }
0x24: {  	s3 =	sadd.s32 $0x88, s3;
	s6 =	simm.s32 @!p1 $0x1082;
	[sflag:s4] =	ssyncset.s32 $0xFFFFF086  }
0x25: {  	[simem:s6], [sflag:s4] =	dma.local [hbm:s3], $0xF7A  }
0x26: {  	[smem:$0x3F98] =	sst s1;
	(tag) =	ssettag s2;
	_ =	strace s9  }
0x27: {  	s1 =	sld [smem:$0x3FA8]  }
0x28: {  	s2 =	sld [smem:$0x3FA9]  }
0x29: {  	s4 =	sld [smem:$0x3FAB]  }
0x2a: {  	p0 =	seq.s32 s5, $0x0;
	s5 =	sld [smem:$0x3FAC]  }
0x2b: {  	s6 =	sld [smem:$0x3FAD]  }
0x2c: {  	s7 =	sld [smem:$0x3FAE]  }
0x2d: {  	s3 =	simm.s32 $0x108;
	s8 =	sld [smem:$0x3FAF]  }
0x2e: {  	s3 =	simm.s32 @!p0 $0x1082;
	s9 =	sld [smem:$0x3FB0]  }
0x2f: {  	lr =	sadd.s32 s0, s3;
	s0 =	sld [smem:$0x3FA7]  }
0x30: {  	s3 =	sld [smem:$0x3FAA]  }
0x31: {  	[smem:$0x3FB3] =	sst s10  }
0x32: {  	s10 =	sld [smem:$0x3FB1];
	_ =	sdelay $0x3  }
0x33: {  	p0 =	seq.s32 s10, $0x1;
	s10 =	sld [smem:$0x3FB3];
	_ =	sdelay $0x3  }
0x34: {  	[smem:$0x3FB3] =	sst s10  }
0x35: {  	s10 =	sld [smem:$0x3FB2];
	_ =	sdelay $0x3  }
0x36: {  	p1 =	seq.s32 s10, $0x1;
	s10 =	sld [smem:$0x3FB3];
	_ =	sdelay $0x3  }
0x37: {  	[smem:$0x3FB3] =	sst s10  }
0x38: {  	s10 =	sld [smem:$0x3FB4]  }
0x39: {  	_ = 	snop;
	(pc) =	sbr.ind lr, $3  }
0x3a: {  	_ = 	snop  }
0x3b: {  	_ = 	snop  }
0x3c: {  	p2 =	seq.s32 s10, $0x1;
	s10 =	sld [smem:$0x3FB3]  }
0x3d: {  	_ =	shalt  }
0x3e: {  	_ =	shalt  }
0x3f: {  	_ =	shalt  }
0x40: {  	_ =	shalt  }
0x41: {  	_ =	shalt  }
0x42: {  	_ =	shalt  }
0x43: {  	_ =	shalt  }
0x44: {  	_ =	shalt  }
0x45: {  	_ =	shalt  }
0x46: {  	_ =	shalt  }
0x47: {  	_ =	shalt  }
0x48: {  	_ =	shalt  }
0x49: {  	_ =	shalt  }
0x4a: {  	_ =	shalt  }
0x4b: {  	_ =	shalt  }
0x4c: {  	_ =	shalt  }
0x4d: {  	_ =	shalt  }
0x4e: {  	_ =	shalt  }
0x4f: {  	_ =	shalt  }
0x50: {  	_ =	shalt  }
0x51: {  	_ =	shalt  }
0x52: {  	_ =	shalt  }
0x53: {  	_ =	shalt  }
0x54: {  	_ =	shalt  }
0x55: {  	_ =	shalt  }
0x56: {  	_ =	shalt  }
0x57: {  	_ =	shalt  }
0x58: {  	_ =	shalt  }
0x59: {  	_ =	shalt  }
0x5a: {  	_ =	shalt  }
0x5b: {  	_ =	shalt  }
0x5c: {  	_ =	shalt  }
0x5d: {  	_ =	shalt  }
0x5e: {  	_ =	shalt  }
0x5f: {  	_ =	shalt  }
0x60: {  	_ =	shalt  }
0x61: {  	_ =	shalt  }
0x62: {  	_ =	shalt  }
0x63: {  	_ =	shalt  }
0x64: {  	_ =	shalt  }
0x65: {  	_ =	shalt  }
0x66: {  	_ =	shalt  }
0x67: {  	_ =	shalt  }
0x68: {  	_ =	shalt  }
0x69: {  	_ =	shalt  }
0x6a: {  	_ =	shalt  }
0x6b: {  	_ =	shalt  }
0x6c: {  	_ =	shalt  }
0x6d: {  	_ =	shalt  }
0x6e: {  	_ =	shalt  }
0x6f: {  	_ =	shalt  }
0x70: {  	_ =	shalt  }
0x71: {  	_ =	shalt  }
0x72: {  	_ =	shalt  }
0x73: {  	_ =	shalt  }
0x74: {  	_ =	shalt  }
0x75: {  	_ =	shalt  }
0x76: {  	_ =	shalt  }
0x77: {  	_ =	shalt  }
0x78: {  	_ =	shalt  }
0x79: {  	_ =	shalt  }
0x7a: {  	_ =	shalt  }
0x7b: {  	_ =	shalt  }
0x7c: {  	_ =	shalt  }
0x7d: {  	_ =	shalt  }
0x7e: {  	_ =	shalt  }
0x7f: {  	_ =	shalt  }
0x80: {  	_ =	shalt  }
0x81: {  	_ =	shalt  }
0x82: {  	_ =	shalt  }
0x83: {  	_ =	shalt  }
0x84: {  	_ =	shalt  }
0x85: {  	_ =	shalt  }
0x86: {  	_ =	shalt  }
0x87: {  	_ =	shalt  }
.Lfunc_end0:
.L_simem_size_0:
called_computation_lowered:
.L_overlay_start_0:
0x88: {  	s0 =	sld [smem:$0x3FD9]  }
0x89: {  	s1 =	sld [smem:$0x3FFE];
	_ =	sdelay $0x3  }
0x8a: {  	s0 =	sadd.s32 s1, s0  }
0x8b: {  	[smem:$0x3FBF] =	sst s0  }
0x8c: {  	_ = 	snop  }
0x8d: {  	s0 =	sld [smem:$0x3FD0];
	(tm) =	ssettm $0x1  }
0x8e: {  	s16 =	sld [smem:$0x3FFB];
	_ =	sdelay $0x3  }
0x8f: {  	_ =	strace s16  }
0x90: {  	s1 =	sld [smem:$0x3FFC];
	_ =	sdelay $0x3  }
0x91: {  	_ =	strace s1  }
0x92: {  	s1 =	sld [smem:$0x3FFD];
	_ =	sdelay $0x3  }
0x93: {  	_ =	strace s1  }
0x94: {  	_ =	strace $0x8FFFFFFF  }
0x95: {  	s17 =	sld [smem:$0x3FDB];
	_ =	sdelay $0x1  }
0x96: {  	s2 =	simm.s32 $_scs_section_size  }
0x97: {  	s3 =	simm.s32 $_size__tile_overlayer_lowered;
	s4 =	simm.s32 $_tile_overlayer_lowered  }
0x98: {  	s20 =	simm.s32 $0x1BFF;
	s19 =	sshll.u32 s4, $0x1;
	s1 =	sadd.s32 s2, s17  }
0x99: {  	s5 =	simm.s32 $0x0;
	s18 =	sshll.u32 s3, $0x1;
	s3 =	sadd.s32 s19, s1  }
0x9a: {  	[timem:s5], [sflag:s20] =	dma.local [hbm:s3], s18  }
0x9b: {  	_ =	swait.ge [sflag:s20], s18  }
0x9c: {  	s2 =	ssub.s32 $0x0, s18;
	[sflag:s20] =	ssyncset.done $0x0  }
0x9d: {  	[sflag:s20] =	ssyncadd.s32 s2;
	_ =	sdelay $0x1  }
0x9e: {  	s21 =	simm.s32 $0x1B8B  }
0x9f: {  	_ =	swait.ge [sflag:s21], $0x1  }
0xa0: {  	[sflag:s21] =	ssyncset.done $0x0  }
0xa1: {  	s23 =	simm.s32 $0x1B8E;
	s22 =	sld [smem:$0x3FFE];
	[sflag:s21] =	ssyncadd.s32 $0xFFFFFFFF  }
0xa2: {  	s24 =	simm.s32 $execute0_lowered;
	[smem:$0x3FD2] =	sst s23  }
0xa3: {  	s3 =	sshll.u32 s24, $0x1;
	_ =	strace $0x80000046;
	[dreg:$0x1] =	wrdreg $0xFFFFFFFF  }
0xa4: {  	s25 =	simm.s32 $_size_execute0_lowered;
	s1 =	sadd.s32 s1, s3;
	[dreg:$0x0] =	wrdreg $0x0  }
0xa5: {  	s3 =	sshll.u32 s25, $0x1;
	[dreg:$0x2] =	wrdreg s1  }
0xa6: {  	[dreg:$0x3] =	wrdreg s3  }
0xa7: {  	[dreg:$0x4] =	wrdreg $0xC0  }
0xa8: {  	_ =	task [dreg:s5], $0x5FFFF  }
0xa9: {  	[dreg:$0x1] =	wrdreg $0xFFFFFFFF  }
0xaa: {  	[dreg:$0x0] =	wrdreg $0x60  }
0xab: {  	[dreg:$0x2] =	wrdreg s22  }
0xac: {  	[dreg:$0x3] =	wrdreg s0  }
0xad: {  	[dreg:$0x4] =	wrdreg $0x9  }
0xae: {  	_ =	task.clear_ibuf [dreg:s5], $0x5FFFF;
	_ =	strace $0x90000046  }
0xaf: {  	s26 =	simm.s32 $0x9;
	_ =	strace $0x80000048  }
0xb0: {  	_ =	swait.ge [sflag:s26], $0x1  }
0xb1: {  	[sflag:s26] =	ssyncadd.s32 $0xFFFFFFFF  }
0xb2: {  	_ =	strace $0x90000048  }
0xb3: {  	_ =	sfence  }
0xb4: {  	s28 =	sld [smem:$0x0];
	_ =	sdelay $0x1  }
0xb5: {  	s29 =	srdreg.scid  }
0xb6: {  	s30 =	sshll.u32 s29, $0xD;
	s31 =	sshrl.u32 s29, $0x2  }
0xb7: {  	s2 =	sand.u32 $0x4000, s30;
	s1 =	sand.u32 $0x1, s29;
	s0 =	sadd.s32 s31, s28  }
0xb8: {  	s1 =	sor.u32 s2, s1;
	s0 =	sshll.u32 s0, $0x11  }
0xb9: {  	s0 =	sor.u32 s0, s1  }
0xba: {  	s0 =	sadd.s32 $0x8F2B, s0  }
0xbb: {  	[sflag:s0] =	ssyncadd.remote.s32 $0x1  }
0xbc: {  	_ =	sfence.sel $0xFFFF  }
0xbd: {  	[dreg:$0x0] =	wrdreg $0xFFFFFFFF;
	(pc) =	sbr.abs _section_cstart, $3  }
0xbe: {  	[dreg:$0x1] =	wrdreg $0xFFFFFFFF  }
0xbf: {  	_ =	task.clear_ibuf [dreg:s5], $0x2FFFF;
	_ =	strace $0x9FFFFFFF  }
0xc0: {  	(tm) =	ssettm $0x7FFFFFFF  }
0xc1: {  	_ =	shalt  }
tec
execute0_lowered:
.L_overlay_start_1:
0x0: {  	(tag) =	ssettag $0x1  }
0x1: {  	s5 =	rddreg [dreg:$0x0]  }
0x2: {  	s6 =	rddreg [dreg:$0x1]  }
0x3: {  	s0 =	rddreg [dreg:$0x2];
	_ =	strace $0x80000047;
	s7 =	stileid.u32  }
0x4: {  	s3 =	simm.s32 $0x3E;
	s1 =	sadd.s32 $0x180600, s5;
	p0 =	sne.s32 s7, $0x0  }
0x5: {  	[sflag:s3] =	ssyncpa.u1 $0x0;
	s4 =	simm.s32 @!p0 $0x1C3E;
	s2 =	simm.s32 @!p0 $0x0  }
0x6: {  	[spmem:s2], [sflag:s4] =	dma.local @!p0 [hbm:s1], $0x10  }
0x7: {  	s4 =	simm.s32 @!p0 $0x3E  }
0x8: {  	_ =	swait.ge @!p0 [sflag:s4], $0x10  }
0x9: {  	[sflag:s4] =	ssyncset.done @!p0 $0x0  }
0xa: {  	[sflag:s4] =	ssyncadd.s32 @!p0 $0xFFFFFFF0  }
0xb: {  	s9 =	simm.s32 $0x108;
	s8 =	sadd.s32 $0x180800, s5;
	[bflag:$0x0] =	sbarrier.arrive $0xFFFF  }
0xc: {  	s7 =	sshll.u32 s7, $0x5;
	[sflag:s3] =	ssyncpa.u1 $0x1;
	s3 =	simm.s32 $0x1  }
0xd: {  	s5 =	simm.s32 $0x0;
	s4 =	simm.s32 $0x2;
	[sflag:s3] =	ssyncpa.u1 $0x0  }
0xe: {  	s6 =	sadd.s32 s6, s7;
	(ifvalue) =	ssetifvalue $0x80;
	[sflag:s4] =	ssyncpa.u1 $0x0  }
0xf: {  	[tilespmem:s9], [sflag:$0x2] =	stream.linear.gather [hbm4b:s6+s5], $0x100, $0x38;
	[tilespmem:$0x408] =	vst v63  }
0x10: {  	s23 =	simm.s32 $0x308;
	s22 =	sadd.s32 s8, s7  }
0x11: {  	[tilespmem:s23], [sflag:$0x2] =	stream.linear.gather [hbm4b:s22+s5], $0x100, $0x38;
	[tilespmem:$0x408] =	vst v63  }
0x12: {  	_ =	swait.ge [sflag:s4], $0x200  }
0x13: {  	[sflag:s4] =	ssyncset.done $0x0  }
0x14: {  	[sflag:s4] =	ssyncadd.s32 $0xFFFFFE00  }
0x15: {  	v0 =	vld.msk [tilespmem:s9+$0x0 ss:$0x1], $0xffff;
	_ =	sdelay $0x4  }
0x16: {  	v0 =	vmin.u32 v0, $0x80;
	_ =	sdelay $0x3  }
0x17: {  	vm0 =	vmmov $0xffff;
	s24 =	simm.s32 $0x118  }
0x18: {  	[spmem:s5] =	stream.indirect_vreg.scatter.add.s32 [tilespmem:s23], [sflag:$0x1], $0x1, v0, vm0, $0x4038;
	[tilespmem:$0x408] =	vst v63  }
0x19: {  	v0 =	vld.msk [tilespmem:s24+$0x0 ss:$0x1], $0xffff;
	_ =	sdelay $0x4  }
0x1a: {  	v0 =	vmin.u32 v0, $0x80;
	_ =	sdelay $0x3  }
0x1b: {  	s25 =	simm.s32 $0x318;
	s26 =	simm.s32 $0x128  }
0x1c: {  	[spmem:s5] =	stream.indirect_vreg.scatter.add.s32 [tilespmem:s25], [sflag:$0x1], $0x1, v0, vm0, $0x4038;
	[tilespmem:$0x408] =	vst v63  }
0x1d: {  	v0 =	vld.msk [tilespmem:s26+$0x0 ss:$0x1], $0xffff;
	_ =	sdelay $0x4  }
0x1e: {  	v0 =	vmin.u32 v0, $0x80;
	_ =	sdelay $0x3  }
0x1f: {  	s28 =	simm.s32 $0x328;
	s29 =	simm.s32 $0x138  }
0x20: {  	[spmem:s5] =	stream.indirect_vreg.scatter.add.s32 [tilespmem:s28], [sflag:$0x1], $0x1, v0, vm0, $0x4038;
	[tilespmem:$0x408] =	vst v63  }
0x21: {  	v0 =	vld.msk [tilespmem:s29+$0x0 ss:$0x1], $0xffff;
	_ =	sdelay $0x4  }
0x22: {  	v0 =	vmin.u32 v0, $0x80;
	_ =	sdelay $0x3  }
0x23: {  	s30 =	simm.s32 $0x338;
	s31 =	simm.s32 $0x148  }
0x24: {  	[spmem:s5] =	stream.indirect_vreg.scatter.add.s32 [tilespmem:s30], [sflag:$0x1], $0x1, v0, vm0, $0x4038;
	[tilespmem:$0x408] =	vst v63  }
0x25: {  	v0 =	vld.msk [tilespmem:s31+$0x0 ss:$0x1], $0xffff;
	_ =	sdelay $0x4  }
0x26: {  	v0 =	vmin.u32 v0, $0x80;
	_ =	sdelay $0x3  }
0x27: {  	s7 =	simm.s32 $0x348;
	s8 =	simm.s32 $0x158  }
0x28: {  	[spmem:s5] =	stream.indirect_vreg.scatter.add.s32 [tilespmem:s7], [sflag:$0x1], $0x1, v0, vm0, $0x4038;
	[tilespmem:$0x408] =	vst v63  }
0x29: {  	v0 =	vld.msk [tilespmem:s8+$0x0 ss:$0x1], $0xffff;
	_ =	sdelay $0x4  }
0x2a: {  	v0 =	vmin.u32 v0, $0x80;
	_ =	sdelay $0x3  }
0x2b: {  	s10 =	simm.s32 $0x168;
	s9 =	simm.s32 $0x358  }
0x2c: {  	[spmem:s5] =	stream.indirect_vreg.scatter.add.s32 [tilespmem:s9], [sflag:$0x1], $0x1, v0, vm0, $0x4038;
	[tilespmem:$0x408] =	vst v63  }
0x2d: {  	v0 =	vld.msk [tilespmem:s10+$0x0 ss:$0x1], $0xffff;
	_ =	sdelay $0x4  }
0x2e: {  	v0 =	vmin.u32 v0, $0x80;
	_ =	sdelay $0x3  }
0x2f: {  	s11 =	simm.s32 $0x368;
	s12 =	simm.s32 $0x178  }
0x30: {  	[spmem:s5] =	stream.indirect_vreg.scatter.add.s32 [tilespmem:s11], [sflag:$0x1], $0x1, v0, vm0, $0x4038;
	[tilespmem:$0x408] =	vst v63  }
0x31: {  	v0 =	vld.msk [tilespmem:s12+$0x0 ss:$0x1], $0xffff;
	_ =	sdelay $0x4  }
0x32: {  	v0 =	vmin.u32 v0, $0x80;
	_ =	sdelay $0x3  }
0x33: {  	s13 =	simm.s32 $0x378;
	s14 =	simm.s32 $0x188  }
0x34: {  	[spmem:s5] =	stream.indirect_vreg.scatter.add.s32 [tilespmem:s13], [sflag:$0x1], $0x1, v0, vm0, $0x4038;
	[tilespmem:$0x408] =	vst v63  }
0x35: {  	v0 =	vld.msk [tilespmem:s14+$0x0 ss:$0x1], $0xffff;
	_ =	sdelay $0x4  }
0x36: {  	v0 =	vmin.u32 v0, $0x80;
	_ =	sdelay $0x3  }
0x37: {  	s15 =	simm.s32 $0x388;
	s16 =	simm.s32 $0x198  }
0x38: {  	[spmem:s5] =	stream.indirect_vreg.scatter.add.s32 [tilespmem:s15], [sflag:$0x1], $0x1, v0, vm0, $0x4038;
	[tilespmem:$0x408] =	vst v63  }
0x39: {  	v0 =	vld.msk [tilespmem:s16+$0x0 ss:$0x1], $0xffff;
	_ =	sdelay $0x4  }
0x3a: {  	v0 =	vmin.u32 v0, $0x80;
	_ =	sdelay $0x3  }
0x3b: {  	s17 =	simm.s32 $0x398;
	s18 =	simm.s32 $0x1A8  }
0x3c: {  	[spmem:s5] =	stream.indirect_vreg.scatter.add.s32 [tilespmem:s17], [sflag:$0x1], $0x1, v0, vm0, $0x4038;
	[tilespmem:$0x408] =	vst v63  }
0x3d: {  	v0 =	vld.msk [tilespmem:s18+$0x0 ss:$0x1], $0xffff;
	_ =	sdelay $0x4  }
0x3e: {  	v0 =	vmin.u32 v0, $0x80;
	_ =	sdelay $0x3  }
0x3f: {  	s19 =	simm.s32 $0x3A8;
	s20 =	simm.s32 $0x1B8  }
0x40: {  	[spmem:s5] =	stream.indirect_vreg.scatter.add.s32 [tilespmem:s19], [sflag:$0x1], $0x1, v0, vm0, $0x4038;
	[tilespmem:$0x408] =	vst v63  }
0x41: {  	v0 =	vld.msk [tilespmem:s20+$0x0 ss:$0x1], $0xffff;
	_ =	sdelay $0x4  }
0x42: {  	v0 =	vmin.u32 v0, $0x80;
	_ =	sdelay $0x3  }
0x43: {  	s21 =	simm.s32 $0x3B8;
	s22 =	simm.s32 $0x1C8  }
0x44: {  	[spmem:s5] =	stream.indirect_vreg.scatter.add.s32 [tilespmem:s21], [sflag:$0x1], $0x1, v0, vm0, $0x4038;
	[tilespmem:$0x408] =	vst v63  }
0x45: {  	v0 =	vld.msk [tilespmem:s22+$0x0 ss:$0x1], $0xffff;
	_ =	sdelay $0x4  }
0x46: {  	v0 =	vmin.u32 v0, $0x80;
	_ =	sdelay $0x3  }
0x47: {  	s23 =	simm.s32 $0x3C8;
	s24 =	simm.s32 $0x1D8  }
0x48: {  	[spmem:s5] =	stream.indirect_vreg.scatter.add.s32 [tilespmem:s23], [sflag:$0x1], $0x1, v0, vm0, $0x4038;
	[tilespmem:$0x408] =	vst v63  }
0x49: {  	v0 =	vld.msk [tilespmem:s24+$0x0 ss:$0x1], $0xffff;
	_ =	sdelay $0x4  }
0x4a: {  	v0 =	vmin.u32 v0, $0x80;
	_ =	sdelay $0x3  }
0x4b: {  	s25 =	simm.s32 $0x3D8;
	s26 =	simm.s32 $0x1E8  }
0x4c: {  	[spmem:s5] =	stream.indirect_vreg.scatter.add.s32 [tilespmem:s25], [sflag:$0x1], $0x1, v0, vm0, $0x4038;
	[tilespmem:$0x408] =	vst v63  }
0x4d: {  	v0 =	vld.msk [tilespmem:s26+$0x0 ss:$0x1], $0xffff;
	_ =	sdelay $0x4  }
0x4e: {  	v0 =	vmin.u32 v0, $0x80;
	_ =	sdelay $0x3  }
0x4f: {  	s28 =	simm.s32 $0x3E8;
	s29 =	simm.s32 $0x1F8  }
0x50: {  	[spmem:s5] =	stream.indirect_vreg.scatter.add.s32 [tilespmem:s28], [sflag:$0x1], $0x1, v0, vm0, $0x4038;
	[tilespmem:$0x408] =	vst v63  }
0x51: {  	v0 =	vld.msk [tilespmem:s29+$0x0 ss:$0x1], $0xffff;
	_ =	sdelay $0x4  }
0x52: {  	v0 =	vmin.u32 v0, $0x80;
	_ =	sdelay $0x3  }
0x53: {  	s30 =	simm.s32 $0x3F8  }
0x54: {  	[spmem:s5] =	stream.indirect_vreg.scatter.add.s32 [tilespmem:s30], [sflag:$0x1], $0x1, v0, vm0, $0x4038;
	[tilespmem:$0x408] =	vst v63  }
0x55: {  	_ =	swait.ge [sflag:s3], $0x100  }
0x56: {  	[sflag:s3] =	ssyncset.done $0x0  }
0x57: {  	[sflag:s3] =	ssyncadd.s32 $0xFFFFFF00  }
0x58: {  	_ =	sfence.sel $0x180000  }
0x59: {  	[bflag:$0x0] =	sbarrier.arrive $0xFFFF  }
0x5a: {  	[sflag:s4] =	ssyncpa.u1 $0x1  }
0x5b: {  	[sflag:s3] =	ssyncpa.u1 $0x1  }
0x5c: {  	_ =	sfence.stream.spmem  }
0x5d: {  	s31 =	simm.s32 $0x3D;
	[bflag:$0x0] =	sbarrier.arrive $0xFFFF  }
0x5e: {  	s3 =	simm.s32 @p0 $0x3D;
	[sflag:s31] =	ssyncpa.u1 $0x0  }
0x5f: {  	[sflag:s3] =	ssyncpa.u1 @p0 $0x1  }
0x60: {  	[bflag:$0x0] =	sbarrier.arrive @p0 $0xFFFF  }
0x61: {  	_ =	strace @p0 $0x90000047  }
0x62: {  	s3 =	simm.s32 @!p0 $0x1C3D;
	[bflag:$0x2] =	sbarrier.arrive @p0 $0xFFFF  }
0x63: {  	[hbm:s1], [sflag:s3] =	dma.local @!p0 [spmem:s2], $0x10  }
0x64: {  	s1 =	simm.s32 @!p0 $0x3D  }
0x65: {  	_ =	swait.ge @!p0 [sflag:s1], $0x10  }
0x66: {  	[sflag:s1] =	ssyncset.done @!p0 $0x0  }
0x67: {  	[sflag:s1] =	ssyncadd.s32 @!p0 $0xFFFFFFF0  }
0x68: {  	[sflag:s1] =	ssyncpa.u1 @!p0 $0x1  }
0x69: {  	[bflag:$0x0] =	sbarrier.arrive @!p0 $0xFFFF  }
0x6a: {  	_ =	strace @!p0 $0x90000047  }
0x6b: {  	s0 =	sadd.s32 @!p0 $0x100000, s0;
	[bflag:$0x2] =	sbarrier.arrive @!p0 $0xFFFF  }
0x6c: {  	[sflag:s0] =	ssyncadd.tile.s32 @!p0 $0x1;
	_ =	shalt  }
.Lfunc_end2:
_tile_overlayer_lowered:
.L_overlay_start_2:
0x6d: {  	(tag) =	ssettag $0x2  }
0x6e: {  	s0 =	rddreg [dreg:$0x0];
	s2 =	stileid.u32  }
0x6f: {  	s1 =	rddreg [dreg:$0x1];
	p0 =	sne.s32 s2, $0x0  }
0x70: {  	s3 =	rddreg [dreg:$0x2];
	[bflag:$0x3] =	sbarrier.arrive $0xFFFF;
	s2 =	simm.s32 @!p0 $0x1C01  }
0x71: {  	[timem:s3], [sflag:s2] =	dma.local @!p0 [hbm:s0], s1  }
0x72: {  	s0 =	simm.s32 @!p0 $0x1  }
0x73: {  	_ =	swait.ge @!p0 [sflag:s0], s1  }
0x74: {  	s1 =	ssub.s32 @!p0 $0x0, s1;
	[sflag:s0] =	ssyncset.done @!p0 $0x0  }
0x75: {  	[sflag:s0] =	ssyncadd.s32 @!p0 s1  }
0x76: {  	[bflag:$0x3] =	sbarrier.arrive $0xFFFF  }
0x77: {  	_ =	shalt  }

</sc_bundles>
